<compile_context>
chip_gen: v7x
topology: tpu7x:2x2x1
jax: 0.10.2.dev20260603
libtpu: 0.0.44.dev20260713+nightly
codegen_flags: <defaults>
</compile_context>

<pallas_src>
import functools

import jax
import jax.numpy as jnp
from jax import lax
from jax.experimental import pallas as pl
from jax.experimental.pallas import tpu as pltpu
from jax.experimental.pallas import tpu_sc as plsc

B = 8
C = 3
N = 16384
S = 2048
L = 16
NCHUNK = N // L
TPB = 4
QCHUNK = NCHUNK // TPB


def _fps_body(
    points_hbm,
    out_hbm,
    x_ref,
    y_ref,
    z_ref,
    dist_ref,
    out_ref,
    xch_ref,
):
    cid = lax.axis_index("c")
    sid = lax.axis_index("s")
    b = cid * TPB + sid // TPB
    q = sid % TPB
    g0 = (sid // TPB) * TPB

    for par0 in range(2):
        for j0 in range(TPB):
            xch_ref[par0, j0, 0] = 0
            xch_ref[par0, j0, 1] = 0
    plsc.subcore_barrier()

    base = b * C * N
    pltpu.sync_copy(points_hbm.at[pl.ds(base, N)], x_ref)
    pltpu.sync_copy(points_hbm.at[pl.ds(base + N, N)], y_ref)
    pltpu.sync_copy(points_hbm.at[pl.ds(base + 2 * N, N)], z_ref)

    iota = lax.iota(jnp.int32, L)
    inf16 = jnp.full((L,), jnp.inf, jnp.float32)
    lo = q * QCHUNK
    hi = lo + QCHUNK

    @plsc.parallel_loop(lo, hi, 1, unroll=8)
    def _init(i):
        dist_ref[pl.ds((i - lo) * L, L)] = inf16

    def write_out(t, lx, ly, lz):
        val = jnp.where(iota == 0, lx, jnp.where(iota == 1, ly, lz))
        tv = jnp.full((L,), t, jnp.int32) + iota * S
        plsc.store_scatter(out_ref, [tv], val, mask=iota < C)

    def fetch(idxv):
        lx = plsc.load_gather(x_ref, [idxv])
        ly = plsc.load_gather(y_ref, [idxv])
        lz = plsc.load_gather(z_ref, [idxv])
        return lx, ly, lz

    zero_idx = jnp.zeros((L,), jnp.int32)

    def step(t, last_idxv):
        lx, ly, lz = fetch(last_idxv)

        @pl.when(q == 0)
        def _():
            write_out(t - 1, lx, ly, lz)

        neg = jnp.full((L,), -jnp.inf, jnp.float32)

        @plsc.parallel_loop(lo, hi, 1, unroll=8, carry=(neg, zero_idx))
        def chunk(i, carry):
            bv, bi = carry
            sl = pl.ds((i - lo) * L, L)
            dx = x_ref[pl.ds(i * L, L)] - lx
            dy = y_ref[pl.ds(i * L, L)] - ly
            dz = z_ref[pl.ds(i * L, L)] - lz
            d = (dx * dx + dz * dz) + dy * dy
            nd = jnp.minimum(dist_ref[sl], d)
            dist_ref[sl] = nd
            m = nd > bv
            bv = jnp.where(m, nd, bv)
            bi = jnp.where(m, iota + i * L, bi)
            return bv, bi

        bv, bi = chunk

        bvb = plsc.bitcast(bv, jnp.int32)
        mxb = jnp.max(bvb)
        cand = jnp.where(bvb == mxb, bi, jnp.int32(2**31 - 1))
        mi = jnp.min(cand)

        par = t & 1
        for dj in range(1, TPB):
            tgt = g0 + ((q + dj) % TPB)
            plsc.fetch_and_add(xch_ref.at[par, q, 0], mxb, subcore_id=tgt)
            plsc.fetch_and_add(xch_ref.at[par, q, 1], mi, subcore_id=tgt)
        plsc.subcore_barrier()

        best_v, best_i = mxb, mi
        for j in range(TPB):
            vj = jnp.where(q == j, mxb, xch_ref[par, j, 0])
            ij = jnp.where(q == j, mi, xch_ref[par, j, 1])
            m = (vj > best_v) | ((vj == best_v) & (ij < best_i))
            best_v = jnp.where(m, vj, best_v)
            best_i = jnp.where(m, ij, best_i)
        for j in range(TPB):
            xch_ref[par, j, 0] = 0
            xch_ref[par, j, 1] = 0

        return jnp.full((L,), best_i, jnp.int32)

    last = lax.fori_loop(1, S, step, zero_idx)
    lx, ly, lz = fetch(last)

    @pl.when(q == 0)
    def _():
        write_out(S - 1, lx, ly, lz)
        pltpu.sync_copy(out_ref, out_hbm.at[pl.ds(b * C * S, C * S)])


@jax.jit
def _fps(points):
    mesh = plsc.VectorSubcoreMesh(core_axis_name="c", subcore_axis_name="s")
    f = functools.partial(
        pl.kernel,
        mesh=mesh,
        compiler_params=pltpu.CompilerParams(needs_layout_passes=False),
        out_type=jax.ShapeDtypeStruct((B * C * S,), jnp.float32),
        scratch_types=[
            pltpu.VMEM((N,), jnp.float32),
            pltpu.VMEM((N,), jnp.float32),
            pltpu.VMEM((N,), jnp.float32),
            pltpu.VMEM((N // TPB,), jnp.float32),
            pltpu.VMEM((C * S,), jnp.float32),
            pltpu.SMEM((2, TPB, 2), jnp.int32),
        ],
    )(_fps_body)
    return f(points.reshape(B * C * N)).reshape(B, C, S)


def kernel(points):
    return _fps(points)

# --- scband reference (transcript-rebuilt; emitter-appended) ---
"""Pipeline reference for scband-sample-11802570130409 (READ-ONLY COPY).

The authoritative reference and input builder live on the scoring server;
editing this copy changes nothing except your own understanding.
"""

import jax, jax.numpy as jnp
import numpy as np

NUM_POINTS = 2048


def _furthest_point_sampling(xyz, num_points):
    # xyz: [B, N, C] point coordinates
    B, N, C = xyz.shape
    init_idx = jnp.zeros((B,), dtype=jnp.int32)
    init_dists = jnp.full((B, N), jnp.inf, dtype=xyz.dtype)

    def step(carry, _):
        dists, last = carry
        last_pt = jnp.take_along_axis(xyz, last[:, None, None], axis=1)  # [B,1,C]
        d = jnp.sum((xyz - last_pt) ** 2, axis=-1)  # [B,N]
        dists = jnp.minimum(dists, d)
        nxt = jnp.argmax(dists, axis=-1).astype(jnp.int32)
        return (dists, nxt), nxt

    (_, _), rest = jax.lax.scan(step, (init_dists, init_idx), None, length=num_points - 1)
    idxs = jnp.concatenate([init_idx[None, :], rest], axis=0)  # [num_points, B]
    return jnp.transpose(idxs, (1, 0))  # [B, num_points]


def setup_inputs(seed: int = 0) -> dict:
    key = jax.random.key(seed)
    points = jax.random.normal(key, (8, 3, 16384), dtype=jnp.float32)
    return {"points": points}


def reference(points):
    # points: [B, C, N]; torch code permutes to [B, N, C] for FPS,
    # then gathers columns of points by the sampled indices.
    xyz = jnp.transpose(points, (0, 2, 1))  # [B, N, C]
    idxs = _furthest_point_sampling(xyz, NUM_POINTS)  # [B, num_points] int32
    new_points = jnp.take_along_axis(points, idxs[:, None, :], axis=2)  # [B, C, num_points]
    return new_points

if __name__ == "__main__":
    import jax
    _d = setup_inputs()
    print(jax.jit(kernel)(*tuple(_d.values())))

</pallas_src>

<mosaic_0001>
#map = affine_map<(d0, d1) -> (0)>
module attributes {stable_mosaic.version = 14 : i64} {
  func.func @_fps_body(%arg0: i32, %arg1: i32, %arg2: memref<393216xf32, #tpu.memory_space<hbm>>, %arg3: memref<49152xf32, #tpu.memory_space<hbm>>, %arg4: memref<16384xf32, #tpu.memory_space<vmem>>, %arg5: memref<16384xf32, #tpu.memory_space<vmem>>, %arg6: memref<16384xf32, #tpu.memory_space<vmem>>, %arg7: memref<4096xf32, #tpu.memory_space<vmem>>, %arg8: memref<6144xf32, #tpu.memory_space<vmem>>, %arg9: memref<2x4x2xi32, #tpu.memory_space<smem>>) attributes {dimension_semantics = [#tpu.dimension_semantics<core_parallel>, #tpu.dimension_semantics<subcore_parallel>], iteration_bounds = array<i64: 2, 16>, scalar_prefetch = 0 : i64, scratch_operands = 6 : i64, tpu.core_type = #tpu.core_type<sc_vector_subcore>, window_params = [{transform_indices = #map}, {transform_indices = #map}]} {
    %mul3A = arith.constant 4 : i32
    %mul3A_0 = arith.muli %arg0, %mul3A : i32
    %jit3A = arith.constant 4 : i32
    %div3A = arith.divsi %arg1, %jit3A : i32
    %sign3A = arith.constant 0 : i32
    %sign3A_1 = arith.cmpi sgt, %arg1, %sign3A : i32
    %sign3A_2 = arith.extui %sign3A_1 : i1 to i32
    %sign3A_3 = arith.constant 0 : i32
    %sign3A_4 = arith.cmpi slt, %arg1, %sign3A_3 : i32
    %sign3A_5 = arith.extui %sign3A_4 : i1 to i32
    %sign3A_6 = arith.subi %sign3A_2, %sign3A_5 : i32
    %sign3A_7 = arith.constant 0 : i32
    %sign3A_8 = arith.cmpi sgt, %jit3A, %sign3A_7 : i32
    %sign3A_9 = arith.extui %sign3A_8 : i1 to i32
    %sign3A_10 = arith.constant 0 : i32
    %sign3A_11 = arith.cmpi slt, %jit3A, %sign3A_10 : i32
    %sign3A_12 = arith.extui %sign3A_11 : i1 to i32
    %sign3A_13 = arith.subi %sign3A_9, %sign3A_12 : i32
    %ne3A = arith.cmpi ne, %sign3A_6, %sign3A_13 : i32
    %rem3A = arith.remsi %arg1, %jit3A : i32
    %ne3A_14 = arith.constant 0 : i32
    %ne3A_15 = arith.cmpi ne, %rem3A, %ne3A_14 : i32
    %and3A = arith.andi %ne3A, %ne3A_15 : i1
    %sub3A = arith.constant 1 : i32
    %sub3A_16 = arith.subi %div3A, %sub3A : i32
    %select_n3A = arith.select %and3A, %sub3A_16, %div3A : i32
    %add3A = arith.addi %mul3A_0, %select_n3A : i32
    %jit3A_17 = arith.constant 4 : i32
    %eq3A = arith.constant 0 : i32
    %eq3A_18 = arith.cmpi eq, %jit3A_17, %eq3A : i32
    %jit3A_19 = arith.constant 1 : i32
    %select_n3A_20 = arith.select %eq3A_18, %jit3A_19, %jit3A_17 : i32
    %rem3A_21 = arith.remsi %arg1, %select_n3A_20 : i32
    %ne3A_22 = arith.constant 0 : i32
    %ne3A_23 = arith.cmpi ne, %rem3A_21, %ne3A_22 : i32
    %lt3A = arith.constant 0 : i32
    %lt3A_24 = arith.cmpi slt, %rem3A_21, %lt3A : i32
    %lt3A_25 = arith.constant 0 : i32
    %lt3A_26 = arith.cmpi slt, %select_n3A_20, %lt3A_25 : i32
    %ne3A_27 = arith.xori %lt3A_24, %lt3A_26 : i1
    %and3A_28 = arith.andi %ne3A_27, %ne3A_23 : i1
    %add3A_29 = arith.addi %rem3A_21, %select_n3A_20 : i32
    %select_n3A_30 = arith.select %and3A_28, %add3A_29, %rem3A_21 : i32
    %jit3A_31 = arith.constant 4 : i32
    %div3A_32 = arith.divsi %arg1, %jit3A_31 : i32
    %sign3A_33 = arith.constant 0 : i32
    %sign3A_34 = arith.cmpi sgt, %arg1, %sign3A_33 : i32
    %sign3A_35 = arith.extui %sign3A_34 : i1 to i32
    %sign3A_36 = arith.constant 0 : i32
    %sign3A_37 = arith.cmpi slt, %arg1, %sign3A_36 : i32
    %sign3A_38 = arith.extui %sign3A_37 : i1 to i32
    %sign3A_39 = arith.subi %sign3A_35, %sign3A_38 : i32
    %sign3A_40 = arith.constant 0 : i32
    %sign3A_41 = arith.cmpi sgt, %jit3A_31, %sign3A_40 : i32
    %sign3A_42 = arith.extui %sign3A_41 : i1 to i32
    %sign3A_43 = arith.constant 0 : i32
    %sign3A_44 = arith.cmpi slt, %jit3A_31, %sign3A_43 : i32
    %sign3A_45 = arith.extui %sign3A_44 : i1 to i32
    %sign3A_46 = arith.subi %sign3A_42, %sign3A_45 : i32
    %ne3A_47 = arith.cmpi ne, %sign3A_39, %sign3A_46 : i32
    %rem3A_48 = arith.remsi %arg1, %jit3A_31 : i32
    %ne3A_49 = arith.constant 0 : i32
    %ne3A_50 = arith.cmpi ne, %rem3A_48, %ne3A_49 : i32
    %and3A_51 = arith.andi %ne3A_47, %ne3A_50 : i1
    %sub3A_52 = arith.constant 1 : i32
    %sub3A_53 = arith.subi %div3A_32, %sub3A_52 : i32
    %select_n3A_54 = arith.select %and3A_51, %sub3A_53, %div3A_32 : i32
    %mul3A_55 = arith.constant 4 : i32
    %mul3A_56 = arith.muli %select_n3A_54, %mul3A_55 : i32
    %swap3A = arith.constant 0 : i32
    %swap3A_57 = arith.constant 0 : i32
    %swap3A_58 = arith.constant 0 : i32
    %swap3A_59 = arith.constant 0 : i32
    %swap3A_60 = arith.index_cast %swap3A_57 : i32 to index
    %swap3A_61 = arith.index_cast %swap3A_58 : i32 to index
    %swap3A_62 = arith.index_cast %swap3A_59 : i32 to index
    %swap3A_63 = memref.load %arg9[%swap3A_60, %swap3A_61, %swap3A_62] : memref<2x4x2xi32, #tpu.memory_space<smem>>
    memref.store %swap3A, %arg9[%swap3A_60, %swap3A_61, %swap3A_62] : memref<2x4x2xi32, #tpu.memory_space<smem>>
    %swap3A_64 = arith.constant 0 : i32
    %swap3A_65 = arith.constant 0 : i32
    %swap3A_66 = arith.constant 0 : i32
    %swap3A_67 = arith.constant 1 : i32
    %swap3A_68 = arith.index_cast %swap3A_65 : i32 to index
    %swap3A_69 = arith.index_cast %swap3A_66 : i32 to index
    %swap3A_70 = arith.index_cast %swap3A_67 : i32 to index
    %swap3A_71 = memref.load %arg9[%swap3A_68, %swap3A_69, %swap3A_70] : memref<2x4x2xi32, #tpu.memory_space<smem>>
    memref.store %swap3A_64, %arg9[%swap3A_68, %swap3A_69, %swap3A_70] : memref<2x4x2xi32, #tpu.memory_space<smem>>
    %swap3A_72 = arith.constant 0 : i32
    %swap3A_73 = arith.constant 0 : i32
    %swap3A_74 = arith.constant 1 : i32
    %swap3A_75 = arith.constant 0 : i32
    %swap3A_76 = arith.index_cast %swap3A_73 : i32 to index
    %swap3A_77 = arith.index_cast %swap3A_74 : i32 to index
    %swap3A_78 = arith.index_cast %swap3A_75 : i32 to index
    %swap3A_79 = memref.load %arg9[%swap3A_76, %swap3A_77, %swap3A_78] : memref<2x4x2xi32, #tpu.memory_space<smem>>
    memref.store %swap3A_72, %arg9[%swap3A_76, %swap3A_77, %swap3A_78] : memref<2x4x2xi32, #tpu.memory_space<smem>>
    %swap3A_80 = arith.constant 0 : i32
    %swap3A_81 = arith.constant 0 : i32
    %swap3A_82 = arith.constant 1 : i32
    %swap3A_83 = arith.constant 1 : i32
    %swap3A_84 = arith.index_cast %swap3A_81 : i32 to index
    %swap3A_85 = arith.index_cast %swap3A_82 : i32 to index
    %swap3A_86 = arith.index_cast %swap3A_83 : i32 to index
    %swap3A_87 = memref.load %arg9[%swap3A_84, %swap3A_85, %swap3A_86] : memref<2x4x2xi32, #tpu.memory_space<smem>>
    memref.store %swap3A_80, %arg9[%swap3A_84, %swap3A_85, %swap3A_86] : memref<2x4x2xi32, #tpu.memory_space<smem>>
    %swap3A_88 = arith.constant 0 : i32
    %swap3A_89 = arith.constant 0 : i32
    %swap3A_90 = arith.constant 2 : i32
    %swap3A_91 = arith.constant 0 : i32
    %swap3A_92 = arith.index_cast %swap3A_89 : i32 to index
    %swap3A_93 = arith.index_cast %swap3A_90 : i32 to index
    %swap3A_94 = arith.index_cast %swap3A_91 : i32 to index
    %swap3A_95 = memref.load %arg9[%swap3A_92, %swap3A_93, %swap3A_94] : memref<2x4x2xi32, #tpu.memory_space<smem>>
    memref.store %swap3A_88, %arg9[%swap3A_92, %swap3A_93, %swap3A_94] : memref<2x4x2xi32, #tpu.memory_space<smem>>
    %swap3A_96 = arith.constant 0 : i32
    %swap3A_97 = arith.constant 0 : i32
    %swap3A_98 = arith.constant 2 : i32
    %swap3A_99 = arith.constant 1 : i32
    %swap3A_100 = arith.index_cast %swap3A_97 : i32 to index
    %swap3A_101 = arith.index_cast %swap3A_98 : i32 to index
    %swap3A_102 = arith.index_cast %swap3A_99 : i32 to index
    %swap3A_103 = memref.load %arg9[%swap3A_100, %swap3A_101, %swap3A_102] : memref<2x4x2xi32, #tpu.memory_space<smem>>
    memref.store %swap3A_96, %arg9[%swap3A_100, %swap3A_101, %swap3A_102] : memref<2x4x2xi32, #tpu.memory_space<smem>>
    %swap3A_104 = arith.constant 0 : i32
    %swap3A_105 = arith.constant 0 : i32
    %swap3A_106 = arith.constant 3 : i32
    %swap3A_107 = arith.constant 0 : i32
    %swap3A_108 = arith.index_cast %swap3A_105 : i32 to index
    %swap3A_109 = arith.index_cast %swap3A_106 : i32 to index
    %swap3A_110 = arith.index_cast %swap3A_107 : i32 to index
    %swap3A_111 = memref.load %arg9[%swap3A_108, %swap3A_109, %swap3A_110] : memref<2x4x2xi32, #tpu.memory_space<smem>>
    memref.store %swap3A_104, %arg9[%swap3A_108, %swap3A_109, %swap3A_110] : memref<2x4x2xi32, #tpu.memory_space<smem>>
    %swap3A_112 = arith.constant 0 : i32
    %swap3A_113 = arith.constant 0 : i32
    %swap3A_114 = arith.constant 3 : i32
    %swap3A_115 = arith.constant 1 : i32
    %swap3A_116 = arith.index_cast %swap3A_113 : i32 to index
    %swap3A_117 = arith.index_cast %swap3A_114 : i32 to index
    %swap3A_118 = arith.index_cast %swap3A_115 : i32 to index
    %swap3A_119 = memref.load %arg9[%swap3A_116, %swap3A_117, %swap3A_118] : memref<2x4x2xi32, #tpu.memory_space<smem>>
    memref.store %swap3A_112, %arg9[%swap3A_116, %swap3A_117, %swap3A_118] : memref<2x4x2xi32, #tpu.memory_space<smem>>
    %swap3A_120 = arith.constant 0 : i32
    %swap3A_121 = arith.constant 1 : i32
    %swap3A_122 = arith.constant 0 : i32
    %swap3A_123 = arith.constant 0 : i32
    %swap3A_124 = arith.index_cast %swap3A_121 : i32 to index
    %swap3A_125 = arith.index_cast %swap3A_122 : i32 to index
    %swap3A_126 = arith.index_cast %swap3A_123 : i32 to index
    %swap3A_127 = memref.load %arg9[%swap3A_124, %swap3A_125, %swap3A_126] : memref<2x4x2xi32, #tpu.memory_space<smem>>
    memref.store %swap3A_120, %arg9[%swap3A_124, %swap3A_125, %swap3A_126] : memref<2x4x2xi32, #tpu.memory_space<smem>>
    %swap3A_128 = arith.constant 0 : i32
    %swap3A_129 = arith.constant 1 : i32
    %swap3A_130 = arith.constant 0 : i32
    %swap3A_131 = arith.constant 1 : i32
    %swap3A_132 = arith.index_cast %swap3A_129 : i32 to index
    %swap3A_133 = arith.index_cast %swap3A_130 : i32 to index
    %swap3A_134 = arith.index_cast %swap3A_131 : i32 to index
    %swap3A_135 = memref.load %arg9[%swap3A_132, %swap3A_133, %swap3A_134] : memref<2x4x2xi32, #tpu.memory_space<smem>>
    memref.store %swap3A_128, %arg9[%swap3A_132, %swap3A_133, %swap3A_134] : memref<2x4x2xi32, #tpu.memory_space<smem>>
    %swap3A_136 = arith.constant 0 : i32
    %swap3A_137 = arith.constant 1 : i32
    %swap3A_138 = arith.constant 1 : i32
    %swap3A_139 = arith.constant 0 : i32
    %swap3A_140 = arith.index_cast %swap3A_137 : i32 to index
    %swap3A_141 = arith.index_cast %swap3A_138 : i32 to index
    %swap3A_142 = arith.index_cast %swap3A_139 : i32 to index
    %swap3A_143 = memref.load %arg9[%swap3A_140, %swap3A_141, %swap3A_142] : memref<2x4x2xi32, #tpu.memory_space<smem>>
    memref.store %swap3A_136, %arg9[%swap3A_140, %swap3A_141, %swap3A_142] : memref<2x4x2xi32, #tpu.memory_space<smem>>
    %swap3A_144 = arith.constant 0 : i32
    %swap3A_145 = arith.constant 1 : i32
    %swap3A_146 = arith.constant 1 : i32
    %swap3A_147 = arith.constant 1 : i32
    %swap3A_148 = arith.index_cast %swap3A_145 : i32 to index
    %swap3A_149 = arith.index_cast %swap3A_146 : i32 to index
    %swap3A_150 = arith.index_cast %swap3A_147 : i32 to index
    %swap3A_151 = memref.load %arg9[%swap3A_148, %swap3A_149, %swap3A_150] : memref<2x4x2xi32, #tpu.memory_space<smem>>
    memref.store %swap3A_144, %arg9[%swap3A_148, %swap3A_149, %swap3A_150] : memref<2x4x2xi32, #tpu.memory_space<smem>>
    %swap3A_152 = arith.constant 0 : i32
    %swap3A_153 = arith.constant 1 : i32
    %swap3A_154 = arith.constant 2 : i32
    %swap3A_155 = arith.constant 0 : i32
    %swap3A_156 = arith.index_cast %swap3A_153 : i32 to index
    %swap3A_157 = arith.index_cast %swap3A_154 : i32 to index
    %swap3A_158 = arith.index_cast %swap3A_155 : i32 to index
    %swap3A_159 = memref.load %arg9[%swap3A_156, %swap3A_157, %swap3A_158] : memref<2x4x2xi32, #tpu.memory_space<smem>>
    memref.store %swap3A_152, %arg9[%swap3A_156, %swap3A_157, %swap3A_158] : memref<2x4x2xi32, #tpu.memory_space<smem>>
    %swap3A_160 = arith.constant 0 : i32
    %swap3A_161 = arith.constant 1 : i32
    %swap3A_162 = arith.constant 2 : i32
    %swap3A_163 = arith.constant 1 : i32
    %swap3A_164 = arith.index_cast %swap3A_161 : i32 to index
    %swap3A_165 = arith.index_cast %swap3A_162 : i32 to index
    %swap3A_166 = arith.index_cast %swap3A_163 : i32 to index
    %swap3A_167 = memref.load %arg9[%swap3A_164, %swap3A_165, %swap3A_166] : memref<2x4x2xi32, #tpu.memory_space<smem>>
    memref.store %swap3A_160, %arg9[%swap3A_164, %swap3A_165, %swap3A_166] : memref<2x4x2xi32, #tpu.memory_space<smem>>
    %swap3A_168 = arith.constant 0 : i32
    %swap3A_169 = arith.constant 1 : i32
    %swap3A_170 = arith.constant 3 : i32
    %swap3A_171 = arith.constant 0 : i32
    %swap3A_172 = arith.index_cast %swap3A_169 : i32 to index
    %swap3A_173 = arith.index_cast %swap3A_170 : i32 to index
    %swap3A_174 = arith.index_cast %swap3A_171 : i32 to index
    %swap3A_175 = memref.load %arg9[%swap3A_172, %swap3A_173, %swap3A_174] : memref<2x4x2xi32, #tpu.memory_space<smem>>
    memref.store %swap3A_168, %arg9[%swap3A_172, %swap3A_173, %swap3A_174] : memref<2x4x2xi32, #tpu.memory_space<smem>>
    %swap3A_176 = arith.constant 0 : i32
    %swap3A_177 = arith.constant 1 : i32
    %swap3A_178 = arith.constant 3 : i32
    %swap3A_179 = arith.constant 1 : i32
    %swap3A_180 = arith.index_cast %swap3A_177 : i32 to index
    %swap3A_181 = arith.index_cast %swap3A_178 : i32 to index
    %swap3A_182 = arith.index_cast %swap3A_179 : i32 to index
    %swap3A_183 = memref.load %arg9[%swap3A_180, %swap3A_181, %swap3A_182] : memref<2x4x2xi32, #tpu.memory_space<smem>>
    memref.store %swap3A_176, %arg9[%swap3A_180, %swap3A_181, %swap3A_182] : memref<2x4x2xi32, #tpu.memory_space<smem>>
    %barrier3A = arith.constant 0 : index
    tpu.barrier barrier_id(%barrier3A)
    %mul3A_184 = arith.constant 3 : i32
    %mul3A_185 = arith.muli %add3A, %mul3A_184 : i32
    %mul3A_186 = arith.constant 16384 : i32
    %mul3A_187 = arith.muli %mul3A_185, %mul3A_186 : i32
    "tpu.region"() ({
      %run_scoped3A = tpu.sem_alloc : memref<!tpu.dma_semaphore, #tpu.memory_space<semaphore_mem>>
      %dma_start3A = tpu.memref_slice %arg2[%mul3A_187] : memref<393216xf32, #tpu.memory_space<hbm>> -> memref<16384xf32, #tpu.memory_space<hbm>>
      %dma_start3A_209 = tpu.memref_slice %arg2[%mul3A_187] : memref<393216xf32, #tpu.memory_space<hbm>> -> memref<16384xf32, #tpu.memory_space<hbm>>
      tpu.enqueue_dma source(%dma_start3A_209 : memref<16384xf32, #tpu.memory_space<hbm>>) target(%arg4 : memref<16384xf32, #tpu.memory_space<vmem>>) target_semaphore(%run_scoped3A : memref<!tpu.dma_semaphore, #tpu.memory_space<semaphore_mem>>)
      %dma_wait3A = tpu.memref_slice %arg2[%mul3A_187] : memref<393216xf32, #tpu.memory_space<hbm>> -> memref<16384xf32, #tpu.memory_space<hbm>>
      %dma_wait3A_210 = tpu.memref_slice %arg2[%mul3A_187] : memref<393216xf32, #tpu.memory_space<hbm>> -> memref<16384xf32, #tpu.memory_space<hbm>>
      tpu.wait_dma2 semaphore(%run_scoped3A : memref<!tpu.dma_semaphore, #tpu.memory_space<semaphore_mem>>) src(%dma_wait3A_210 : memref<16384xf32, #tpu.memory_space<hbm>>) dst(%arg4 : memref<16384xf32, #tpu.memory_space<vmem>>)
      tpu.yield
    }) : () -> ()
    %add3A_188 = arith.constant 16384 : i32
    %add3A_189 = arith.addi %mul3A_187, %add3A_188 : i32
    "tpu.region"() ({
      %run_scoped3A = tpu.sem_alloc : memref<!tpu.dma_semaphore, #tpu.memory_space<semaphore_mem>>
      %dma_start3A = tpu.memref_slice %arg2[%add3A_189] : memref<393216xf32, #tpu.memory_space<hbm>> -> memref<16384xf32, #tpu.memory_space<hbm>>
      %dma_start3A_209 = tpu.memref_slice %arg2[%add3A_189] : memref<393216xf32, #tpu.memory_space<hbm>> -> memref<16384xf32, #tpu.memory_space<hbm>>
      tpu.enqueue_dma source(%dma_start3A_209 : memref<16384xf32, #tpu.memory_space<hbm>>) target(%arg5 : memref<16384xf32, #tpu.memory_space<vmem>>) target_semaphore(%run_scoped3A : memref<!tpu.dma_semaphore, #tpu.memory_space<semaphore_mem>>)
      %dma_wait3A = tpu.memref_slice %arg2[%add3A_189] : memref<393216xf32, #tpu.memory_space<hbm>> -> memref<16384xf32, #tpu.memory_space<hbm>>
      %dma_wait3A_210 = tpu.memref_slice %arg2[%add3A_189] : memref<393216xf32, #tpu.memory_space<hbm>> -> memref<16384xf32, #tpu.memory_space<hbm>>
      tpu.wait_dma2 semaphore(%run_scoped3A : memref<!tpu.dma_semaphore, #tpu.memory_space<semaphore_mem>>) src(%dma_wait3A_210 : memref<16384xf32, #tpu.memory_space<hbm>>) dst(%arg5 : memref<16384xf32, #tpu.memory_space<vmem>>)
      tpu.yield
    }) : () -> ()
    %add3A_190 = arith.constant 32768 : i32
    %add3A_191 = arith.addi %mul3A_187, %add3A_190 : i32
    "tpu.region"() ({
      %run_scoped3A = tpu.sem_alloc : memref<!tpu.dma_semaphore, #tpu.memory_space<semaphore_mem>>
      %dma_start3A = tpu.memref_slice %arg2[%add3A_191] : memref<393216xf32, #tpu.memory_space<hbm>> -> memref<16384xf32, #tpu.memory_space<hbm>>
      %dma_start3A_209 = tpu.memref_slice %arg2[%add3A_191] : memref<393216xf32, #tpu.memory_space<hbm>> -> memref<16384xf32, #tpu.memory_space<hbm>>
      tpu.enqueue_dma source(%dma_start3A_209 : memref<16384xf32, #tpu.memory_space<hbm>>) target(%arg6 : memref<16384xf32, #tpu.memory_space<vmem>>) target_semaphore(%run_scoped3A : memref<!tpu.dma_semaphore, #tpu.memory_space<semaphore_mem>>)
      %dma_wait3A = tpu.memref_slice %arg2[%add3A_191] : memref<393216xf32, #tpu.memory_space<hbm>> -> memref<16384xf32, #tpu.memory_space<hbm>>
      %dma_wait3A_210 = tpu.memref_slice %arg2[%add3A_191] : memref<393216xf32, #tpu.memory_space<hbm>> -> memref<16384xf32, #tpu.memory_space<hbm>>
      tpu.wait_dma2 semaphore(%run_scoped3A : memref<!tpu.dma_semaphore, #tpu.memory_space<semaphore_mem>>) src(%dma_wait3A_210 : memref<16384xf32, #tpu.memory_space<hbm>>) dst(%arg6 : memref<16384xf32, #tpu.memory_space<vmem>>)
      tpu.yield
    }) : () -> ()
    %iota3A = tpu.iota {dimensions = array<i32: 0>} : vector<16xi32>
    %broadcast_in_dim3A = arith.constant 0x7F800000 : f32
    %broadcast_in_dim3A_192 = vector.broadcast %broadcast_in_dim3A : f32 to vector<16xf32>
    %mul3A_193 = arith.constant 256 : i32
    %mul3A_194 = arith.muli %select_n3A_30, %mul3A_193 : i32
    %add3A_195 = arith.constant 256 : i32
    %add3A_196 = arith.addi %mul3A_194, %add3A_195 : i32
    %parallel_loop3A = arith.constant 1 : i32
    scf.for %parallel_loop3A_209 = %mul3A_194 to %add3A_196 step %parallel_loop3A  : i32 {
      %parallel_loop3A_210 = arith.subi %parallel_loop3A_209, %mul3A_194 : i32
      %parallel_loop3A_211 = arith.constant 16 : i32
      %parallel_loop3A_212 = arith.muli %parallel_loop3A_210, %parallel_loop3A_211 : i32
      %parallel_loop3A_213 = arith.index_cast %parallel_loop3A_212 : i32 to index
      %parallel_loop3A_214 = tpu.vector_load %arg7[%parallel_loop3A_213] {strides = array<i32>} : memref<4096xf32, #tpu.memory_space<vmem>>, vector<16xf32>,
      tpu.vector_store %arg7[%parallel_loop3A_213], %broadcast_in_dim3A_192 {strides = array<i32>} : memref<4096xf32, #tpu.memory_space<vmem>>, vector<16xf32>,
    } {sc.loop_unroll_factor = 8 : i64, sc.parallel_access}
    %broadcast_in_dim3A_197 = arith.constant 0 : i32
    %broadcast_in_dim3A_198 = vector.broadcast %broadcast_in_dim3A_197 : i32 to vector<16xi32>
    %scan3A = arith.constant 1 : i32
    %scan3A_199 = arith.constant 2047 : i32
    %scan3A_200 = arith.addi %scan3A, %scan3A_199 : i32
    %scan3A_201 = arith.constant 1 : i32
    %scan3A_202 = scf.for %scan3A_209 = %scan3A to %scan3A_200 step %scan3A_201 iter_args(%scan3A_210 = %broadcast_in_dim3A_198) -> (vector<16xi32>)  : i32 {
      %gather3A_211 = tpu.vector_load_idx %arg4[%scan3A_210] : memref<16384xf32, #tpu.memory_space<vmem>>[vector<16xi32>], vector<16xf32>,
      %gather3A_212 = tpu.vector_load_idx %arg5[%scan3A_210] : memref<16384xf32, #tpu.memory_space<vmem>>[vector<16xi32>], vector<16xf32>,
      %gather3A_213 = tpu.vector_load_idx %arg6[%scan3A_210] : memref<16384xf32, #tpu.memory_space<vmem>>[vector<16xi32>], vector<16xf32>,
      %eq3A_214 = arith.constant 0 : i32
      %eq3A_215 = arith.cmpi eq, %select_n3A_30, %eq3A_214 : i32
      %convert_element_type3A_216 = arith.extui %eq3A_215 : i1 to i32
      %cond3A_217 = arith.constant 0 : i32
      %cond3A_218 = arith.cmpi ne, %convert_element_type3A_216, %cond3A_217 : i32
      scf.if %cond3A_218 {
        %sub3A_467 = arith.constant 1 : i32
        %sub3A_468 = arith.subi %scan3A_209, %sub3A_467 : i32
        %eq3A_469 = arith.constant 0 : i32
        %eq3A_470 = vector.broadcast %eq3A_469 : i32 to vector<16xi32>
        %eq3A_471 = arith.cmpi eq, %iota3A, %eq3A_470 : vector<16xi32>
        %eq3A_472 = arith.constant 1 : i32
        %eq3A_473 = vector.broadcast %eq3A_472 : i32 to vector<16xi32>
        %eq3A_474 = arith.cmpi eq, %iota3A, %eq3A_473 : vector<16xi32>
        %select_n3A_475 = arith.select %eq3A_474, %gather3A_212, %gather3A_213 : vector<16xi1>, vector<16xf32>
        %select_n3A_476 = arith.select %eq3A_471, %gather3A_211, %select_n3A_475 : vector<16xi1>, vector<16xf32>
        %broadcast_in_dim3A_477 = vector.broadcast %sub3A_468 : i32 to vector<16xi32>
        %mul3A_478 = arith.constant 2048 : i32
        %mul3A_479 = vector.broadcast %mul3A_478 : i32 to vector<16xi32>
        %mul3A_480 = arith.muli %iota3A, %mul3A_479 : vector<16xi32>
        %add3A_481 = arith.addi %broadcast_in_dim3A_477, %mul3A_480 : vector<16xi32>
        %lt3A_482 = arith.constant 3 : i32
        %lt3A_483 = vector.broadcast %lt3A_482 : i32 to vector<16xi32>
        %lt3A_484 = arith.cmpi slt, %iota3A, %lt3A_483 : vector<16xi32>
        tpu.vector_store_idx %arg8[%add3A_481], %select_n3A_476 masked %lt3A_484 : memref<6144xf32, #tpu.memory_space<vmem>>[vector<16xi32>], vector<16xf32>, vector<16xi1>
      } else {
      }
      %broadcast_in_dim3A_219 = arith.constant 0xFF800000 : f32
      %broadcast_in_dim3A_220 = vector.broadcast %broadcast_in_dim3A_219 : f32 to vector<16xf32>
      %parallel_loop3A_221 = arith.constant 1 : i32
      %parallel_loop3A_222:2 = scf.for %parallel_loop3A_467 = %mul3A_194 to %add3A_196 step %parallel_loop3A_221 iter_args(%parallel_loop3A_468 = %broadcast_in_dim3A_220, %parallel_loop3A_469 = %broadcast_in_dim3A_198) -> (vector<16xf32>, vector<16xi32>)  : i32 {
        %parallel_loop3A_470 = arith.subi %parallel_loop3A_467, %mul3A_194 : i32
        %parallel_loop3A_471 = arith.constant 16 : i32
        %parallel_loop3A_472 = arith.muli %parallel_loop3A_470, %parallel_loop3A_471 : i32
        %parallel_loop3A_473 = arith.constant 16 : i32
        %parallel_loop3A_474 = arith.muli %parallel_loop3A_467, %parallel_loop3A_473 : i32
        %parallel_loop3A_475 = arith.index_cast %parallel_loop3A_474 : i32 to index
        %parallel_loop3A_476 = tpu.vector_load %arg4[%parallel_loop3A_475] {strides = array<i32>} : memref<16384xf32, #tpu.memory_space<vmem>>, vector<16xf32>,
        %parallel_loop3A_477 = arith.subf %parallel_loop3A_476, %gather3A_211 : vector<16xf32>
        %parallel_loop3A_478 = arith.constant 16 : i32
        %parallel_loop3A_479 = arith.muli %parallel_loop3A_467, %parallel_loop3A_478 : i32
        %parallel_loop3A_480 = arith.index_cast %parallel_loop3A_479 : i32 to index
        %parallel_loop3A_481 = tpu.vector_load %arg5[%parallel_loop3A_480] {strides = array<i32>} : memref<16384xf32, #tpu.memory_space<vmem>>, vector<16xf32>,
        %parallel_loop3A_482 = arith.subf %parallel_loop3A_481, %gather3A_212 : vector<16xf32>
        %parallel_loop3A_483 = arith.constant 16 : i32
        %parallel_loop3A_484 = arith.muli %parallel_loop3A_467, %parallel_loop3A_483 : i32
        %parallel_loop3A_485 = arith.index_cast %parallel_loop3A_484 : i32 to index
        %parallel_loop3A_486 = tpu.vector_load %arg6[%parallel_loop3A_485] {strides = array<i32>} : memref<16384xf32, #tpu.memory_space<vmem>>, vector<16xf32>,
        %parallel_loop3A_487 = arith.subf %parallel_loop3A_486, %gather3A_213 : vector<16xf32>
        %parallel_loop3A_488 = arith.mulf %parallel_loop3A_477, %parallel_loop3A_477 : vector<16xf32>
        %parallel_loop3A_489 = arith.mulf %parallel_loop3A_487, %parallel_loop3A_487 : vector<16xf32>
        %parallel_loop3A_490 = arith.addf %parallel_loop3A_488, %parallel_loop3A_489 : vector<16xf32>
        %parallel_loop3A_491 = arith.mulf %parallel_loop3A_482, %parallel_loop3A_482 : vector<16xf32>
        %parallel_loop3A_492 = arith.addf %parallel_loop3A_490, %parallel_loop3A_491 : vector<16xf32>
        %parallel_loop3A_493 = arith.index_cast %parallel_loop3A_472 : i32 to index
        %parallel_loop3A_494 = tpu.vector_load %arg7[%parallel_loop3A_493] {strides = array<i32>} : memref<4096xf32, #tpu.memory_space<vmem>>, vector<16xf32>,
        %parallel_loop3A_495 = arith.minimumf %parallel_loop3A_494, %parallel_loop3A_492 : vector<16xf32>
        %parallel_loop3A_496 = arith.index_cast %parallel_loop3A_472 : i32 to index
        %parallel_loop3A_497 = tpu.vector_load %arg7[%parallel_loop3A_496] {strides = array<i32>} : memref<4096xf32, #tpu.memory_space<vmem>>, vector<16xf32>,
        tpu.vector_store %arg7[%parallel_loop3A_496], %parallel_loop3A_495 {strides = array<i32>} : memref<4096xf32, #tpu.memory_space<vmem>>, vector<16xf32>,
        %parallel_loop3A_498 = arith.cmpf ogt, %parallel_loop3A_495, %parallel_loop3A_468 : vector<16xf32>
        %parallel_loop3A_499 = arith.select %parallel_loop3A_498, %parallel_loop3A_495, %parallel_loop3A_468 : vector<16xi1>, vector<16xf32>
        %parallel_loop3A_500 = arith.constant 16 : i32
        %parallel_loop3A_501 = arith.muli %parallel_loop3A_467, %parallel_loop3A_500 : i32
        %parallel_loop3A_502 = vector.broadcast %parallel_loop3A_501 : i32 to vector<16xi32>
        %parallel_loop3A_503 = arith.addi %iota3A, %parallel_loop3A_502 : vector<16xi32>
        %parallel_loop3A_504 = arith.select %parallel_loop3A_498, %parallel_loop3A_503, %parallel_loop3A_469 : vector<16xi1>, vector<16xi32>
        scf.yield %parallel_loop3A_499, %parallel_loop3A_504 : vector<16xf32>, vector<16xi32>
      } {sc.loop_unroll_factor = 8 : i64, sc.parallel_access}
      %bitcast3A = vector.bitcast %parallel_loop3A_222#0 : vector<16xf32> to vector<16xi32>
      %reduce_max3A = arith.constant true
      %reduce_max3A_223 = vector.broadcast %reduce_max3A : i1 to vector<16xi1>
      %reduce_max3A_224 = arith.constant -2147483648 : i32
      %reduce_max3A_225 = vector.broadcast %reduce_max3A_224 : i32 to vector<16xi32>
      %reduce_max3A_226 = arith.xori %bitcast3A, %reduce_max3A_225 : vector<16xi32>
      %reduce_max3A_227 = tpu.scan <max>, %reduce_max3A_226 masked %reduce_max3A_223 : vector<16xi32>, vector<16xi1> -> vector<16xi32>
      %reduce_max3A_228 = arith.xori %reduce_max3A_227, %reduce_max3A_225 : vector<16xi32>
      %reduce_max3A_229 = vector.extract %reduce_max3A_228[15] : i32 from vector<16xi32>
      %eq3A_230 = vector.broadcast %reduce_max3A_229 : i32 to vector<16xi32>
      %eq3A_231 = arith.cmpi eq, %bitcast3A, %eq3A_230 : vector<16xi32>
      %jit3A_232 = arith.constant 2147483647 : i32
      %broadcast_in_dim3A_233 = vector.broadcast %jit3A_232 : i32 to vector<16xi32>
      %select_n3A_234 = arith.select %eq3A_231, %parallel_loop3A_222#1, %broadcast_in_dim3A_233 : vector<16xi1>, vector<16xi32>
      %reduce_min3A = arith.constant true
      %reduce_min3A_235 = vector.broadcast %reduce_min3A : i1 to vector<16xi1>
      %reduce_min3A_236 = arith.constant -2147483648 : i32
      %reduce_min3A_237 = vector.broadcast %reduce_min3A_236 : i32 to vector<16xi32>
      %reduce_min3A_238 = arith.xori %select_n3A_234, %reduce_min3A_237 : vector<16xi32>
      %reduce_min3A_239 = tpu.scan <min>, %reduce_min3A_238 masked %reduce_min3A_235 : vector<16xi32>, vector<16xi1> -> vector<16xi32>
      %reduce_min3A_240 = arith.xori %reduce_min3A_239, %reduce_min3A_237 : vector<16xi32>
      %reduce_min3A_241 = vector.extract %reduce_min3A_240[15] : i32 from vector<16xi32>
      %and3A_242 = arith.constant 1 : i32
      %and3A_243 = arith.andi %scan3A_209, %and3A_242 : i32
      %add3A_244 = arith.constant 1 : i32
      %add3A_245 = arith.addi %select_n3A_30, %add3A_244 : i32
      %jit3A_246 = arith.constant 4 : i32
      %eq3A_247 = arith.constant 0 : i32
      %eq3A_248 = arith.cmpi eq, %jit3A_246, %eq3A_247 : i32
      %jit3A_249 = arith.constant 1 : i32
      %select_n3A_250 = arith.select %eq3A_248, %jit3A_249, %jit3A_246 : i32
      %rem3A_251 = arith.remsi %add3A_245, %select_n3A_250 : i32
      %ne3A_252 = arith.constant 0 : i32
      %ne3A_253 = arith.cmpi ne, %rem3A_251, %ne3A_252 : i32
      %lt3A_254 = arith.constant 0 : i32
      %lt3A_255 = arith.cmpi slt, %rem3A_251, %lt3A_254 : i32
      %lt3A_256 = arith.constant 0 : i32
      %lt3A_257 = arith.cmpi slt, %select_n3A_250, %lt3A_256 : i32
      %ne3A_258 = arith.xori %lt3A_255, %lt3A_257 : i1
      %and3A_259 = arith.andi %ne3A_258, %ne3A_253 : i1
      %add3A_260 = arith.addi %rem3A_251, %select_n3A_250 : i32
      %select_n3A_261 = arith.select %and3A_259, %add3A_260, %rem3A_251 : i32
      %add3A_262 = arith.addi %mul3A_56, %select_n3A_261 : i32
      %sc_fetch_and_add3A = arith.constant 0 : i32
      %sc_fetch_and_add3A_263 = tpu.fetch_and_add_sync %arg9[%and3A_243, %select_n3A_30, %sc_fetch_and_add3A], %reduce_max3A_229, %add3A_262 : memref<2x4x2xi32, #tpu.memory_space<smem>>, i32 -> i32
      %sc_fetch_and_add3A_264 = arith.constant 1 : i32
      %sc_fetch_and_add3A_265 = tpu.fetch_and_add_sync %arg9[%and3A_243, %select_n3A_30, %sc_fetch_and_add3A_264], %reduce_min3A_241, %add3A_262 : memref<2x4x2xi32, #tpu.memory_space<smem>>, i32 -> i32
      %add3A_266 = arith.constant 2 : i32
      %add3A_267 = arith.addi %select_n3A_30, %add3A_266 : i32
      %jit3A_268 = arith.constant 4 : i32
      %eq3A_269 = arith.constant 0 : i32
      %eq3A_270 = arith.cmpi eq, %jit3A_268, %eq3A_269 : i32
      %jit3A_271 = arith.constant 1 : i32
      %select_n3A_272 = arith.select %eq3A_270, %jit3A_271, %jit3A_268 : i32
      %rem3A_273 = arith.remsi %add3A_267, %select_n3A_272 : i32
      %ne3A_274 = arith.constant 0 : i32
      %ne3A_275 = arith.cmpi ne, %rem3A_273, %ne3A_274 : i32
      %lt3A_276 = arith.constant 0 : i32
      %lt3A_277 = arith.cmpi slt, %rem3A_273, %lt3A_276 : i32
      %lt3A_278 = arith.constant 0 : i32
      %lt3A_279 = arith.cmpi slt, %select_n3A_272, %lt3A_278 : i32
      %ne3A_280 = arith.xori %lt3A_277, %lt3A_279 : i1
      %and3A_281 = arith.andi %ne3A_280, %ne3A_275 : i1
      %add3A_282 = arith.addi %rem3A_273, %select_n3A_272 : i32
      %select_n3A_283 = arith.select %and3A_281, %add3A_282, %rem3A_273 : i32
      %add3A_284 = arith.addi %mul3A_56, %select_n3A_283 : i32
      %sc_fetch_and_add3A_285 = arith.constant 0 : i32
      %sc_fetch_and_add3A_286 = tpu.fetch_and_add_sync %arg9[%and3A_243, %select_n3A_30, %sc_fetch_and_add3A_285], %reduce_max3A_229, %add3A_284 : memref<2x4x2xi32, #tpu.memory_space<smem>>, i32 -> i32
      %sc_fetch_and_add3A_287 = arith.constant 1 : i32
      %sc_fetch_and_add3A_288 = tpu.fetch_and_add_sync %arg9[%and3A_243, %select_n3A_30, %sc_fetch_and_add3A_287], %reduce_min3A_241, %add3A_284 : memref<2x4x2xi32, #tpu.memory_space<smem>>, i32 -> i32
      %add3A_289 = arith.constant 3 : i32
      %add3A_290 = arith.addi %select_n3A_30, %add3A_289 : i32
      %jit3A_291 = arith.constant 4 : i32
      %eq3A_292 = arith.constant 0 : i32
      %eq3A_293 = arith.cmpi eq, %jit3A_291, %eq3A_292 : i32
      %jit3A_294 = arith.constant 1 : i32
      %select_n3A_295 = arith.select %eq3A_293, %jit3A_294, %jit3A_291 : i32
      %rem3A_296 = arith.remsi %add3A_290, %select_n3A_295 : i32
      %ne3A_297 = arith.constant 0 : i32
      %ne3A_298 = arith.cmpi ne, %rem3A_296, %ne3A_297 : i32
      %lt3A_299 = arith.constant 0 : i32
      %lt3A_300 = arith.cmpi slt, %rem3A_296, %lt3A_299 : i32
      %lt3A_301 = arith.constant 0 : i32
      %lt3A_302 = arith.cmpi slt, %select_n3A_295, %lt3A_301 : i32
      %ne3A_303 = arith.xori %lt3A_300, %lt3A_302 : i1
      %and3A_304 = arith.andi %ne3A_303, %ne3A_298 : i1
      %add3A_305 = arith.addi %rem3A_296, %select_n3A_295 : i32
      %select_n3A_306 = arith.select %and3A_304, %add3A_305, %rem3A_296 : i32
      %add3A_307 = arith.addi %mul3A_56, %select_n3A_306 : i32
      %sc_fetch_and_add3A_308 = arith.constant 0 : i32
      %sc_fetch_and_add3A_309 = tpu.fetch_and_add_sync %arg9[%and3A_243, %select_n3A_30, %sc_fetch_and_add3A_308], %reduce_max3A_229, %add3A_307 : memref<2x4x2xi32, #tpu.memory_space<smem>>, i32 -> i32
      %sc_fetch_and_add3A_310 = arith.constant 1 : i32
      %sc_fetch_and_add3A_311 = tpu.fetch_and_add_sync %arg9[%and3A_243, %select_n3A_30, %sc_fetch_and_add3A_310], %reduce_min3A_241, %add3A_307 : memref<2x4x2xi32, #tpu.memory_space<smem>>, i32 -> i32
      %barrier3A_312 = arith.constant 0 : index
      tpu.barrier barrier_id(%barrier3A_312)
      %eq3A_313 = arith.constant 0 : i32
      %eq3A_314 = arith.cmpi eq, %select_n3A_30, %eq3A_313 : i32
      %get3A = arith.constant 0 : i32
      %get3A_315 = arith.constant 0 : i32
      %get3A_316 = arith.index_cast %and3A_243 : i32 to index
      %get3A_317 = arith.index_cast %get3A : i32 to index
      %get3A_318 = arith.index_cast %get3A_315 : i32 to index
      %get3A_319 = memref.load %arg9[%get3A_316, %get3A_317, %get3A_318] : memref<2x4x2xi32, #tpu.memory_space<smem>>
      %select_n3A_320 = arith.select %eq3A_314, %reduce_max3A_229, %get3A_319 : i32
      %eq3A_321 = arith.constant 0 : i32
      %eq3A_322 = arith.cmpi eq, %select_n3A_30, %eq3A_321 : i32
      %get3A_323 = arith.constant 0 : i32
      %get3A_324 = arith.constant 1 : i32
      %get3A_325 = arith.index_cast %and3A_243 : i32 to index
      %get3A_326 = arith.index_cast %get3A_323 : i32 to index
      %get3A_327 = arith.index_cast %get3A_324 : i32 to index
      %get3A_328 = memref.load %arg9[%get3A_325, %get3A_326, %get3A_327] : memref<2x4x2xi32, #tpu.memory_space<smem>>
      %select_n3A_329 = arith.select %eq3A_322, %reduce_min3A_241, %get3A_328 : i32
      %gt3A = arith.cmpi sgt, %select_n3A_320, %reduce_max3A_229 : i32
      %eq3A_330 = arith.cmpi eq, %select_n3A_320, %reduce_max3A_229 : i32
      %lt3A_331 = arith.cmpi slt, %select_n3A_329, %reduce_min3A_241 : i32
      %and3A_332 = arith.andi %eq3A_330, %lt3A_331 : i1
      %or3A = arith.ori %gt3A, %and3A_332 : i1
      %select_n3A_333 = arith.select %or3A, %select_n3A_320, %reduce_max3A_229 : i32
      %select_n3A_334 = arith.select %or3A, %select_n3A_329, %reduce_min3A_241 : i32
      %eq3A_335 = arith.constant 1 : i32
      %eq3A_336 = arith.cmpi eq, %select_n3A_30, %eq3A_335 : i32
      %get3A_337 = arith.constant 1 : i32
      %get3A_338 = arith.constant 0 : i32
      %get3A_339 = arith.index_cast %and3A_243 : i32 to index
      %get3A_340 = arith.index_cast %get3A_337 : i32 to index
      %get3A_341 = arith.index_cast %get3A_338 : i32 to index
      %get3A_342 = memref.load %arg9[%get3A_339, %get3A_340, %get3A_341] : memref<2x4x2xi32, #tpu.memory_space<smem>>
      %select_n3A_343 = arith.select %eq3A_336, %reduce_max3A_229, %get3A_342 : i32
      %eq3A_344 = arith.constant 1 : i32
      %eq3A_345 = arith.cmpi eq, %select_n3A_30, %eq3A_344 : i32
      %get3A_346 = arith.constant 1 : i32
      %get3A_347 = arith.constant 1 : i32
      %get3A_348 = arith.index_cast %and3A_243 : i32 to index
      %get3A_349 = arith.index_cast %get3A_346 : i32 to index
      %get3A_350 = arith.index_cast %get3A_347 : i32 to index
      %get3A_351 = memref.load %arg9[%get3A_348, %get3A_349, %get3A_350] : memref<2x4x2xi32, #tpu.memory_space<smem>>
      %select_n3A_352 = arith.select %eq3A_345, %reduce_min3A_241, %get3A_351 : i32
      %gt3A_353 = arith.cmpi sgt, %select_n3A_343, %select_n3A_333 : i32
      %eq3A_354 = arith.cmpi eq, %select_n3A_343, %select_n3A_333 : i32
      %lt3A_355 = arith.cmpi slt, %select_n3A_352, %select_n3A_334 : i32
      %and3A_356 = arith.andi %eq3A_354, %lt3A_355 : i1
      %or3A_357 = arith.ori %gt3A_353, %and3A_356 : i1
      %select_n3A_358 = arith.select %or3A_357, %select_n3A_343, %select_n3A_333 : i32
      %select_n3A_359 = arith.select %or3A_357, %select_n3A_352, %select_n3A_334 : i32
      %eq3A_360 = arith.constant 2 : i32
      %eq3A_361 = arith.cmpi eq, %select_n3A_30, %eq3A_360 : i32
      %get3A_362 = arith.constant 2 : i32
      %get3A_363 = arith.constant 0 : i32
      %get3A_364 = arith.index_cast %and3A_243 : i32 to index
      %get3A_365 = arith.index_cast %get3A_362 : i32 to index
      %get3A_366 = arith.index_cast %get3A_363 : i32 to index
      %get3A_367 = memref.load %arg9[%get3A_364, %get3A_365, %get3A_366] : memref<2x4x2xi32, #tpu.memory_space<smem>>
      %select_n3A_368 = arith.select %eq3A_361, %reduce_max3A_229, %get3A_367 : i32
      %eq3A_369 = arith.constant 2 : i32
      %eq3A_370 = arith.cmpi eq, %select_n3A_30, %eq3A_369 : i32
      %get3A_371 = arith.constant 2 : i32
      %get3A_372 = arith.constant 1 : i32
      %get3A_373 = arith.index_cast %and3A_243 : i32 to index
      %get3A_374 = arith.index_cast %get3A_371 : i32 to index
      %get3A_375 = arith.index_cast %get3A_372 : i32 to index
      %get3A_376 = memref.load %arg9[%get3A_373, %get3A_374, %get3A_375] : memref<2x4x2xi32, #tpu.memory_space<smem>>
      %select_n3A_377 = arith.select %eq3A_370, %reduce_min3A_241, %get3A_376 : i32
      %gt3A_378 = arith.cmpi sgt, %select_n3A_368, %select_n3A_358 : i32
      %eq3A_379 = arith.cmpi eq, %select_n3A_368, %select_n3A_358 : i32
      %lt3A_380 = arith.cmpi slt, %select_n3A_377, %select_n3A_359 : i32
      %and3A_381 = arith.andi %eq3A_379, %lt3A_380 : i1
      %or3A_382 = arith.ori %gt3A_378, %and3A_381 : i1
      %select_n3A_383 = arith.select %or3A_382, %select_n3A_368, %select_n3A_358 : i32
      %select_n3A_384 = arith.select %or3A_382, %select_n3A_377, %select_n3A_359 : i32
      %eq3A_385 = arith.constant 3 : i32
      %eq3A_386 = arith.cmpi eq, %select_n3A_30, %eq3A_385 : i32
      %get3A_387 = arith.constant 3 : i32
      %get3A_388 = arith.constant 0 : i32
      %get3A_389 = arith.index_cast %and3A_243 : i32 to index
      %get3A_390 = arith.index_cast %get3A_387 : i32 to index
      %get3A_391 = arith.index_cast %get3A_388 : i32 to index
      %get3A_392 = memref.load %arg9[%get3A_389, %get3A_390, %get3A_391] : memref<2x4x2xi32, #tpu.memory_space<smem>>
      %select_n3A_393 = arith.select %eq3A_386, %reduce_max3A_229, %get3A_392 : i32
      %eq3A_394 = arith.constant 3 : i32
      %eq3A_395 = arith.cmpi eq, %select_n3A_30, %eq3A_394 : i32
      %get3A_396 = arith.constant 3 : i32
      %get3A_397 = arith.constant 1 : i32
      %get3A_398 = arith.index_cast %and3A_243 : i32 to index
      %get3A_399 = arith.index_cast %get3A_396 : i32 to index
      %get3A_400 = arith.index_cast %get3A_397 : i32 to index
      %get3A_401 = memref.load %arg9[%get3A_398, %get3A_399, %get3A_400] : memref<2x4x2xi32, #tpu.memory_space<smem>>
      %select_n3A_402 = arith.select %eq3A_395, %reduce_min3A_241, %get3A_401 : i32
      %gt3A_403 = arith.cmpi sgt, %select_n3A_393, %select_n3A_383 : i32
      %eq3A_404 = arith.cmpi eq, %select_n3A_393, %select_n3A_383 : i32
      %lt3A_405 = arith.cmpi slt, %select_n3A_402, %select_n3A_384 : i32
      %and3A_406 = arith.andi %eq3A_404, %lt3A_405 : i1
      %or3A_407 = arith.ori %gt3A_403, %and3A_406 : i1
      %select_n3A_408 = arith.select %or3A_407, %select_n3A_393, %select_n3A_383 : i32
      %select_n3A_409 = arith.select %or3A_407, %select_n3A_402, %select_n3A_384 : i32
      %swap3A_410 = arith.constant 0 : i32
      %swap3A_411 = arith.constant 0 : i32
      %swap3A_412 = arith.constant 0 : i32
      %swap3A_413 = arith.index_cast %and3A_243 : i32 to index
      %swap3A_414 = arith.index_cast %swap3A_411 : i32 to index
      %swap3A_415 = arith.index_cast %swap3A_412 : i32 to index
      %swap3A_416 = memref.load %arg9[%swap3A_413, %swap3A_414, %swap3A_415] : memref<2x4x2xi32, #tpu.memory_space<smem>>
      memref.store %swap3A_410, %arg9[%swap3A_413, %swap3A_414, %swap3A_415] : memref<2x4x2xi32, #tpu.memory_space<smem>>
      %swap3A_417 = arith.constant 0 : i32
      %swap3A_418 = arith.constant 0 : i32
      %swap3A_419 = arith.constant 1 : i32
      %swap3A_420 = arith.index_cast %and3A_243 : i32 to index
      %swap3A_421 = arith.index_cast %swap3A_418 : i32 to index
      %swap3A_422 = arith.index_cast %swap3A_419 : i32 to index
      %swap3A_423 = memref.load %arg9[%swap3A_420, %swap3A_421, %swap3A_422] : memref<2x4x2xi32, #tpu.memory_space<smem>>
      memref.store %swap3A_417, %arg9[%swap3A_420, %swap3A_421, %swap3A_422] : memref<2x4x2xi32, #tpu.memory_space<smem>>
      %swap3A_424 = arith.constant 0 : i32
      %swap3A_425 = arith.constant 1 : i32
      %swap3A_426 = arith.constant 0 : i32
      %swap3A_427 = arith.index_cast %and3A_243 : i32 to index
      %swap3A_428 = arith.index_cast %swap3A_425 : i32 to index
      %swap3A_429 = arith.index_cast %swap3A_426 : i32 to index
      %swap3A_430 = memref.load %arg9[%swap3A_427, %swap3A_428, %swap3A_429] : memref<2x4x2xi32, #tpu.memory_space<smem>>
      memref.store %swap3A_424, %arg9[%swap3A_427, %swap3A_428, %swap3A_429] : memref<2x4x2xi32, #tpu.memory_space<smem>>
      %swap3A_431 = arith.constant 0 : i32
      %swap3A_432 = arith.constant 1 : i32
      %swap3A_433 = arith.constant 1 : i32
      %swap3A_434 = arith.index_cast %and3A_243 : i32 to index
      %swap3A_435 = arith.index_cast %swap3A_432 : i32 to index
      %swap3A_436 = arith.index_cast %swap3A_433 : i32 to index
      %swap3A_437 = memref.load %arg9[%swap3A_434, %swap3A_435, %swap3A_436] : memref<2x4x2xi32, #tpu.memory_space<smem>>
      memref.store %swap3A_431, %arg9[%swap3A_434, %swap3A_435, %swap3A_436] : memref<2x4x2xi32, #tpu.memory_space<smem>>
      %swap3A_438 = arith.constant 0 : i32
      %swap3A_439 = arith.constant 2 : i32
      %swap3A_440 = arith.constant 0 : i32
      %swap3A_441 = arith.index_cast %and3A_243 : i32 to index
      %swap3A_442 = arith.index_cast %swap3A_439 : i32 to index
      %swap3A_443 = arith.index_cast %swap3A_440 : i32 to index
      %swap3A_444 = memref.load %arg9[%swap3A_441, %swap3A_442, %swap3A_443] : memref<2x4x2xi32, #tpu.memory_space<smem>>
      memref.store %swap3A_438, %arg9[%swap3A_441, %swap3A_442, %swap3A_443] : memref<2x4x2xi32, #tpu.memory_space<smem>>
      %swap3A_445 = arith.constant 0 : i32
      %swap3A_446 = arith.constant 2 : i32
      %swap3A_447 = arith.constant 1 : i32
      %swap3A_448 = arith.index_cast %and3A_243 : i32 to index
      %swap3A_449 = arith.index_cast %swap3A_446 : i32 to index
      %swap3A_450 = arith.index_cast %swap3A_447 : i32 to index
      %swap3A_451 = memref.load %arg9[%swap3A_448, %swap3A_449, %swap3A_450] : memref<2x4x2xi32, #tpu.memory_space<smem>>
      memref.store %swap3A_445, %arg9[%swap3A_448, %swap3A_449, %swap3A_450] : memref<2x4x2xi32, #tpu.memory_space<smem>>
      %swap3A_452 = arith.constant 0 : i32
      %swap3A_453 = arith.constant 3 : i32
      %swap3A_454 = arith.constant 0 : i32
      %swap3A_455 = arith.index_cast %and3A_243 : i32 to index
      %swap3A_456 = arith.index_cast %swap3A_453 : i32 to index
      %swap3A_457 = arith.index_cast %swap3A_454 : i32 to index
      %swap3A_458 = memref.load %arg9[%swap3A_455, %swap3A_456, %swap3A_457] : memref<2x4x2xi32, #tpu.memory_space<smem>>
      memref.store %swap3A_452, %arg9[%swap3A_455, %swap3A_456, %swap3A_457] : memref<2x4x2xi32, #tpu.memory_space<smem>>
      %swap3A_459 = arith.constant 0 : i32
      %swap3A_460 = arith.constant 3 : i32
      %swap3A_461 = arith.constant 1 : i32
      %swap3A_462 = arith.index_cast %and3A_243 : i32 to index
      %swap3A_463 = arith.index_cast %swap3A_460 : i32 to index
      %swap3A_464 = arith.index_cast %swap3A_461 : i32 to index
      %swap3A_465 = memref.load %arg9[%swap3A_462, %swap3A_463, %swap3A_464] : memref<2x4x2xi32, #tpu.memory_space<smem>>
      memref.store %swap3A_459, %arg9[%swap3A_462, %swap3A_463, %swap3A_464] : memref<2x4x2xi32, #tpu.memory_space<smem>>
      %broadcast_in_dim3A_466 = vector.broadcast %select_n3A_409 : i32 to vector<16xi32>
      scf.yield %broadcast_in_dim3A_466 : vector<16xi32>
    }
    %scan3A_203 = arith.constant 2047 : i32
    %gather3A = tpu.vector_load_idx %arg4[%scan3A_202] : memref<16384xf32, #tpu.memory_space<vmem>>[vector<16xi32>], vector<16xf32>,
    %gather3A_204 = tpu.vector_load_idx %arg5[%scan3A_202] : memref<16384xf32, #tpu.memory_space<vmem>>[vector<16xi32>], vector<16xf32>,
    %gather3A_205 = tpu.vector_load_idx %arg6[%scan3A_202] : memref<16384xf32, #tpu.memory_space<vmem>>[vector<16xi32>], vector<16xf32>,
    %eq3A_206 = arith.constant 0 : i32
    %eq3A_207 = arith.cmpi eq, %select_n3A_30, %eq3A_206 : i32
    %convert_element_type3A = arith.extui %eq3A_207 : i1 to i32
    %cond3A = arith.constant 0 : i32
    %cond3A_208 = arith.cmpi ne, %convert_element_type3A, %cond3A : i32
    scf.if %cond3A_208 {
      %eq3A_209 = arith.constant 0 : i32
      %eq3A_210 = vector.broadcast %eq3A_209 : i32 to vector<16xi32>
      %eq3A_211 = arith.cmpi eq, %iota3A, %eq3A_210 : vector<16xi32>
      %eq3A_212 = arith.constant 1 : i32
      %eq3A_213 = vector.broadcast %eq3A_212 : i32 to vector<16xi32>
      %eq3A_214 = arith.cmpi eq, %iota3A, %eq3A_213 : vector<16xi32>
      %select_n3A_215 = arith.select %eq3A_214, %gather3A_204, %gather3A_205 : vector<16xi1>, vector<16xf32>
      %select_n3A_216 = arith.select %eq3A_211, %gather3A, %select_n3A_215 : vector<16xi1>, vector<16xf32>
      %broadcast_in_dim3A_217 = arith.constant 2047 : i32
      %broadcast_in_dim3A_218 = vector.broadcast %broadcast_in_dim3A_217 : i32 to vector<16xi32>
      %mul3A_219 = arith.constant 2048 : i32
      %mul3A_220 = vector.broadcast %mul3A_219 : i32 to vector<16xi32>
      %mul3A_221 = arith.muli %iota3A, %mul3A_220 : vector<16xi32>
      %add3A_222 = arith.addi %broadcast_in_dim3A_218, %mul3A_221 : vector<16xi32>
      %lt3A_223 = arith.constant 3 : i32
      %lt3A_224 = vector.broadcast %lt3A_223 : i32 to vector<16xi32>
      %lt3A_225 = arith.cmpi slt, %iota3A, %lt3A_224 : vector<16xi32>
      tpu.vector_store_idx %arg8[%add3A_222], %select_n3A_216 masked %lt3A_225 : memref<6144xf32, #tpu.memory_space<vmem>>[vector<16xi32>], vector<16xf32>, vector<16xi1>
      %mul3A_226 = arith.constant 3 : i32
      %mul3A_227 = arith.muli %add3A, %mul3A_226 : i32
      %mul3A_228 = arith.constant 2048 : i32
      %mul3A_229 = arith.muli %mul3A_227, %mul3A_228 : i32
      "tpu.region"() ({
        %run_scoped3A = tpu.sem_alloc : memref<!tpu.dma_semaphore, #tpu.memory_space<semaphore_mem>>
        %dma_start3A = tpu.memref_slice %arg3[%mul3A_229] : memref<49152xf32, #tpu.memory_space<hbm>> -> memref<6144xf32, #tpu.memory_space<hbm>>
        %dma_start3A_230 = tpu.memref_slice %arg3[%mul3A_229] : memref<49152xf32, #tpu.memory_space<hbm>> -> memref<6144xf32, #tpu.memory_space<hbm>>
        tpu.enqueue_dma source(%arg8 : memref<6144xf32, #tpu.memory_space<vmem>>) target(%dma_start3A_230 : memref<6144xf32, #tpu.memory_space<hbm>>) target_semaphore(%run_scoped3A : memref<!tpu.dma_semaphore, #tpu.memory_space<semaphore_mem>>)
        %dma_wait3A = tpu.memref_slice %arg3[%mul3A_229] : memref<49152xf32, #tpu.memory_space<hbm>> -> memref<6144xf32, #tpu.memory_space<hbm>>
        %dma_wait3A_231 = tpu.memref_slice %arg3[%mul3A_229] : memref<49152xf32, #tpu.memory_space<hbm>> -> memref<6144xf32, #tpu.memory_space<hbm>>
        tpu.wait_dma2 semaphore(%run_scoped3A : memref<!tpu.dma_semaphore, #tpu.memory_space<semaphore_mem>>) src(%arg8 : memref<6144xf32, #tpu.memory_space<vmem>>) dst(%dma_wait3A_231 : memref<6144xf32, #tpu.memory_space<hbm>>)
        tpu.yield
      }) : () -> ()
    } else {
    }
    return
  }
}

</mosaic_0001>

<sc_bundles>
// kernel: _fps.3.cloned.1.call-start
scs
__scs_entry_jumppad:
0x0: {  	(pc) =	sbr.rel $0x88, $3  }
0x1: {  	(tag) =	ssettag $0x0;
	lr =	simm.s32 $0x1  }
0x2: {  	[smem:$0x3FA0] =	sst lr;
	_ =	strace $0xD0000000  }
0x3: {  	_ = 	snop  }
0x4: {  	_ = 	snop  }
0x5: {  	_ = 	snop  }
0x6: {  	_ = 	snop  }
0x7: {  	_ = 	snop  }
__scs_overlays_trampoline_lowered:
0x8: {  	[smem:$0x3FAF] =	sst s0  }
0x9: {  	[smem:$0x3FB0] =	sst s1  }
0xa: {  	[smem:$0x3FB1] =	sst s2  }
0xb: {  	[smem:$0x3FB2] =	sst s3  }
0xc: {  	[smem:$0x3FB3] =	sst s4  }
0xd: {  	[smem:$0x3FB4] =	sst s5  }
0xe: {  	[smem:$0x3FB5] =	sst s6  }
0xf: {  	[smem:$0x3FB6] =	sst s7  }
0x10: {  	[smem:$0x3FB7] =	sst s8  }
0x11: {  	[smem:$0x3FB8] =	sst s9;
	s0 =	simm.s32 @!p0 $0x0  }
0x12: {  	s1 =	sld [smem:$0x3F9E];
	s0 =	simm.s32 @p0 $0x1  }
0x13: {  	[smem:$0x3FB9] =	sst s0;
	s0 =	simm.s32 @!p1 $0x0  }
0x14: {  	s2 =	sld [smem:$0x3F9D];
	s0 =	simm.s32 @p1 $0x1  }
0x15: {  	[smem:$0x3FBA] =	sst s0;
	s0 =	simm.s32 @!p2 $0x0  }
0x16: {  	s3 =	sld [smem:$0x3FDB];
	s0 =	simm.s32 @p2 $0x1  }
0x17: {  	s4 =	simm.s32 $0x1BF5;
	[smem:$0x3FBC] =	sst s0  }
0x18: {  	s0 =	sld [smem:$0x3F9F];
	_ =	swait.ge [sflag:s4], $0x0  }
0x19: {  	s7 =	sld [smem:$0x3FA0]  }
0x1a: {  	s8 =	sadd.s32 $0xFFFFE003, lr  }
0x1b: {  	s9 =	sadd.s32 $0xFFFFFEF7, lr;
	s5 =	simm.s32 $0xFFFFFFFF;
	p2 =	slt.u32 s8, $0xFFFFF086  }
0x1c: {  	p1 =	slt.u32 s9, $0xF7A;
	s5 =	simm.s32 @!p2 $0x0  }
0x1d: {  	s5 =	simm.s32 @p1 $0x1;
	p0 =	seq.s32 s7, s2  }
0x1e: {  	s7 =	smul.u32 @!p0 $0xF7A, s2;
	p2 =	seq.s32 @!p0 s5, $0x0  }
0x1f: {  	s9 =	smul.u32 $0xF7A, s1;
	s8 =	simm.s32 @!p0 $0x1BF5;
	p2 =	por !p2, p0  }
0x20: {  	[sflag:s8] =	ssyncset.s32 @!p0 $0xFFFFF086;
	s6 =	sadd.s32 @!p0 s3, s7;
	s7 =	simm.s32 @!p0 $0x108  }
0x21: {  	s3 =	sadd.s32 s3, s9;
	s6 =	sadd.s32 @!p0 $0x88, s6;
	s7 =	simm.s32 @p2 $0x1082  }
0x22: {  	[simem:s7], [sflag:s8] =	dma.local @!p0 [hbm:s6], $0xF7A  }
0x23: {  	s9 =	sor.u32 $0xD0000000, s2;
	s6 =	simm.s32 $0x108;
	_ =	swait.ge @!p0 [sflag:s8], $0x0  }
0x24: {  	s3 =	sadd.s32 $0x88, s3;
	s6 =	simm.s32 @!p1 $0x1082;
	[sflag:s4] =	ssyncset.s32 $0xFFFFF086  }
0x25: {  	[simem:s6], [sflag:s4] =	dma.local [hbm:s3], $0xF7A  }
0x26: {  	[smem:$0x3FA0] =	sst s1;
	(tag) =	ssettag s2;
	_ =	strace s9  }
0x27: {  	s1 =	sld [smem:$0x3FB0]  }
0x28: {  	s2 =	sld [smem:$0x3FB1]  }
0x29: {  	s4 =	sld [smem:$0x3FB3]  }
0x2a: {  	p0 =	seq.s32 s5, $0x0;
	s5 =	sld [smem:$0x3FB4]  }
0x2b: {  	s6 =	sld [smem:$0x3FB5]  }
0x2c: {  	s7 =	sld [smem:$0x3FB6]  }
0x2d: {  	s3 =	simm.s32 $0x108;
	s8 =	sld [smem:$0x3FB7]  }
0x2e: {  	s3 =	simm.s32 @!p0 $0x1082;
	s9 =	sld [smem:$0x3FB8]  }
0x2f: {  	lr =	sadd.s32 s0, s3;
	s0 =	sld [smem:$0x3FAF]  }
0x30: {  	s3 =	sld [smem:$0x3FB2]  }
0x31: {  	[smem:$0x3FBB] =	sst s10  }
0x32: {  	s10 =	sld [smem:$0x3FB9];
	_ =	sdelay $0x3  }
0x33: {  	p0 =	seq.s32 s10, $0x1;
	s10 =	sld [smem:$0x3FBB];
	_ =	sdelay $0x3  }
0x34: {  	[smem:$0x3FBB] =	sst s10  }
0x35: {  	s10 =	sld [smem:$0x3FBA];
	_ =	sdelay $0x3  }
0x36: {  	p1 =	seq.s32 s10, $0x1;
	s10 =	sld [smem:$0x3FBB];
	_ =	sdelay $0x3  }
0x37: {  	[smem:$0x3FBB] =	sst s10  }
0x38: {  	s10 =	sld [smem:$0x3FBC]  }
0x39: {  	_ = 	snop;
	(pc) =	sbr.ind lr, $3  }
0x3a: {  	_ = 	snop  }
0x3b: {  	_ = 	snop  }
0x3c: {  	p2 =	seq.s32 s10, $0x1;
	s10 =	sld [smem:$0x3FBB]  }
0x3d: {  	_ =	shalt  }
0x3e: {  	_ =	shalt  }
0x3f: {  	_ =	shalt  }
0x40: {  	_ =	shalt  }
0x41: {  	_ =	shalt  }
0x42: {  	_ =	shalt  }
0x43: {  	_ =	shalt  }
0x44: {  	_ =	shalt  }
0x45: {  	_ =	shalt  }
0x46: {  	_ =	shalt  }
0x47: {  	_ =	shalt  }
0x48: {  	_ =	shalt  }
0x49: {  	_ =	shalt  }
0x4a: {  	_ =	shalt  }
0x4b: {  	_ =	shalt  }
0x4c: {  	_ =	shalt  }
0x4d: {  	_ =	shalt  }
0x4e: {  	_ =	shalt  }
0x4f: {  	_ =	shalt  }
0x50: {  	_ =	shalt  }
0x51: {  	_ =	shalt  }
0x52: {  	_ =	shalt  }
0x53: {  	_ =	shalt  }
0x54: {  	_ =	shalt  }
0x55: {  	_ =	shalt  }
0x56: {  	_ =	shalt  }
0x57: {  	_ =	shalt  }
0x58: {  	_ =	shalt  }
0x59: {  	_ =	shalt  }
0x5a: {  	_ =	shalt  }
0x5b: {  	_ =	shalt  }
0x5c: {  	_ =	shalt  }
0x5d: {  	_ =	shalt  }
0x5e: {  	_ =	shalt  }
0x5f: {  	_ =	shalt  }
0x60: {  	_ =	shalt  }
0x61: {  	_ =	shalt  }
0x62: {  	_ =	shalt  }
0x63: {  	_ =	shalt  }
0x64: {  	_ =	shalt  }
0x65: {  	_ =	shalt  }
0x66: {  	_ =	shalt  }
0x67: {  	_ =	shalt  }
0x68: {  	_ =	shalt  }
0x69: {  	_ =	shalt  }
0x6a: {  	_ =	shalt  }
0x6b: {  	_ =	shalt  }
0x6c: {  	_ =	shalt  }
0x6d: {  	_ =	shalt  }
0x6e: {  	_ =	shalt  }
0x6f: {  	_ =	shalt  }
0x70: {  	_ =	shalt  }
0x71: {  	_ =	shalt  }
0x72: {  	_ =	shalt  }
0x73: {  	_ =	shalt  }
0x74: {  	_ =	shalt  }
0x75: {  	_ =	shalt  }
0x76: {  	_ =	shalt  }
0x77: {  	_ =	shalt  }
0x78: {  	_ =	shalt  }
0x79: {  	_ =	shalt  }
0x7a: {  	_ =	shalt  }
0x7b: {  	_ =	shalt  }
0x7c: {  	_ =	shalt  }
0x7d: {  	_ =	shalt  }
0x7e: {  	_ =	shalt  }
0x7f: {  	_ =	shalt  }
0x80: {  	_ =	shalt  }
0x81: {  	_ =	shalt  }
0x82: {  	_ =	shalt  }
0x83: {  	_ =	shalt  }
0x84: {  	_ =	shalt  }
0x85: {  	_ =	shalt  }
0x86: {  	_ =	shalt  }
0x87: {  	_ =	shalt  }
.Lfunc_end0:
.L_simem_size_0:
called_computation_lowered:
.L_overlay_start_0:
0x88: {  	s2 =	sld [smem:$0x3FD9]  }
0x89: {  	s3 =	sld [smem:$0x3FFE];
	_ =	sdelay $0x1  }
0x8a: {  	s1 =	srdreg.scid  }
0x8b: {  	s0 =	sand.u32 $0x1, s1  }
0x8c: {  	s17 =	sshll.u32 s0, $0xA;
	s2 =	sadd.s32 s3, s2  }
0x8d: {  	s2 =	sadd.s32 s2, s17  }
0x8e: {  	[smem:$0x3FC7] =	sst s2  }
0x8f: {  	_ = 	snop  }
0x90: {  	s2 =	sld [smem:$0x3FD0];
	(tm) =	ssettm $0x1  }
0x91: {  	s18 =	sld [smem:$0x3FFB];
	_ =	sdelay $0x3  }
0x92: {  	_ =	strace s18  }
0x93: {  	s3 =	sld [smem:$0x3FFC];
	_ =	sdelay $0x3  }
0x94: {  	_ =	strace s3  }
0x95: {  	s3 =	sld [smem:$0x3FFD];
	_ =	sdelay $0x3  }
0x96: {  	_ =	strace s3  }
0x97: {  	_ =	strace $0x8FFFFFFF  }
0x98: {  	s19 =	sld [smem:$0x3FDB];
	_ =	sdelay $0x1  }
0x99: {  	s4 =	simm.s32 $_scs_section_size  }
0x9a: {  	s5 =	simm.s32 $_size__tile_overlayer_lowered;
	s6 =	simm.s32 $_tile_overlayer_lowered  }
0x9b: {  	s22 =	simm.s32 $0x1BFF;
	s21 =	sshll.u32 s6, $0x1;
	s3 =	sadd.s32 s4, s19  }
0x9c: {  	s7 =	simm.s32 $0x0;
	s20 =	sshll.u32 s5, $0x1;
	s5 =	sadd.s32 s21, s3  }
0x9d: {  	[timem:s7], [sflag:s22] =	dma.local [hbm:s5], s20  }
0x9e: {  	_ =	swait.ge [sflag:s22], s20  }
0x9f: {  	s4 =	ssub.s32 $0x0, s20;
	[sflag:s22] =	ssyncset.done $0x0  }
0xa0: {  	[sflag:s22] =	ssyncadd.s32 s4;
	_ =	sdelay $0x1  }
0xa1: {  	s23 =	simm.s32 $0x1B8B  }
0xa2: {  	_ =	swait.ge [sflag:s23], $0x1  }
0xa3: {  	[sflag:s23] =	ssyncset.done $0x0  }
0xa4: {  	s25 =	simm.s32 $0x1B8E;
	s24 =	sld [smem:$0x3FFE];
	[sflag:s23] =	ssyncadd.s32 $0xFFFFFFFF  }
0xa5: {  	s26 =	simm.s32 $execute0_lowered;
	[smem:$0x3FD2] =	sst s25  }
0xa6: {  	s5 =	sshll.u32 s26, $0x1;
	_ =	strace $0x80000046;
	[dreg:$0x1] =	wrdreg $0xFFFFFFFF  }
0xa7: {  	s28 =	simm.s32 $_size_execute0_lowered;
	s3 =	sadd.s32 s3, s5;
	[dreg:$0x0] =	wrdreg $0x0  }
0xa8: {  	s5 =	sshll.u32 s28, $0x1;
	[dreg:$0x2] =	wrdreg s3  }
0xa9: {  	[dreg:$0x3] =	wrdreg s5  }
0xaa: {  	[dreg:$0x4] =	wrdreg $0xC0  }
0xab: {  	_ =	task [dreg:s7], $0x5FFFF  }
0xac: {  	[dreg:$0x1] =	wrdreg $0xFFFFFFFF  }
0xad: {  	[dreg:$0x0] =	wrdreg $0x60  }
0xae: {  	[dreg:$0x2] =	wrdreg s24  }
0xaf: {  	[dreg:$0x3] =	wrdreg s2  }
0xb0: {  	[dreg:$0x4] =	wrdreg $0x9  }
0xb1: {  	_ =	task.clear_ibuf [dreg:s7], $0x5FFFF;
	_ =	strace $0x90000046  }
0xb2: {  	s29 =	simm.s32 $0x9;
	_ =	strace $0x80000048  }
0xb3: {  	_ =	swait.ge [sflag:s29], $0x1  }
0xb4: {  	[sflag:s29] =	ssyncadd.s32 $0xFFFFFFFF  }
0xb5: {  	_ =	strace $0x90000048  }
0xb6: {  	_ =	sfence  }
0xb7: {  	s30 =	sld [smem:$0x0];
	_ =	sdelay $0x2  }
0xb8: {  	s31 =	sshll.u32 s1, $0xD;
	s1 =	sshrl.u32 s1, $0x2  }
0xb9: {  	s3 =	sand.u32 $0x4000, s31;
	s1 =	sadd.s32 s1, s30  }
0xba: {  	s0 =	sor.u32 s3, s0;
	s1 =	sshll.u32 s1, $0x11  }
0xbb: {  	s0 =	sor.u32 s1, s0  }
0xbc: {  	s0 =	sadd.s32 $0x8F2B, s0  }
0xbd: {  	[sflag:s0] =	ssyncadd.remote.s32 $0x1  }
0xbe: {  	_ =	sfence.sel $0xFFFF  }
0xbf: {  	[dreg:$0x0] =	wrdreg $0xFFFFFFFF;
	(pc) =	sbr.abs _section_cstart, $3  }
0xc0: {  	[dreg:$0x1] =	wrdreg $0xFFFFFFFF  }
0xc1: {  	_ =	task.clear_ibuf [dreg:s7], $0x2FFFF;
	_ =	strace $0x9FFFFFFF  }
0xc2: {  	(tm) =	ssettm $0x7FFFFFFF  }
0xc3: {  	_ =	shalt  }
tec
execute0_lowered:
.L_overlay_start_1:
0x0: {  	(tag) =	ssettag $0x1  }
0x1: {  	s0 =	srdreg.scid;
	s1 =	rddreg [dreg:$0x0]  }
0x2: {  	s13 =	stileid.u32;
	s9 =	rddreg [dreg:$0x1]  }
0x3: {  	s15 =	simm.s32 $0x1;
	s16 =	simm.s32 $0x4000;
	s17 =	simm.s32 $0x8000  }
0x4: {  	s19 =	simm.s32 $0x2;
	s20 =	simm.s32 $0x3;
	s22 =	simm.s32 $0x4  }
0x5: {  	s23 =	simm.s32 $0x5;
	s25 =	simm.s32 $0x6;
	s26 =	simm.s32 $0x0  }
0x6: {  	s0 =	sand.u32 $0x1, s0;
	s3 =	sshrl.u32 s13, $0x2;
	s12 =	sand.u32 $0x3, s13  }
0x7: {  	s10 =	sand.u32 $0xC, s13;
	s31 =	sadd.s32 $0x1, s13;
	s8 =	sadd.s32 $0xFFFFFFFF, s13  }
0x8: {  	s13 =	sxor.u32 $0x2, s13;
	s2 =	sshll.u32 s0, $0x2;
	s0 =	ssub.s32 $0x2, s0  }
0x9: {  	s6 =	sshll.u32 s12, $0x8;
	s11 =	sand.u32 $0x3, s8;
	s8 =	sshll.u32 s12, $0x7  }
0xa: {  	s14 =	sshll.u32 s12, $0xC;
	p0 =	seq.s32 s12, $0x0;
	p1 =	seq.s32 s12, $0x3  }
0xb: {  	p2 =	seq.s32 s12, $0x2;
	p3 =	seq.s32 s12, $0x1;
	s21 =	sshll.u32 s13, $0x10  }
0xc: {  	p4 =	sne.s32 s12, $0x0;
	s3 =	sor.u32 s3, s2;
	s2 =	simm.s32 $0x0  }
0xd: {  	s5 =	sshrl.u32 s0, $0x1;
	s7 =	sadd.s32 $0x100, s6;
	s4 =	smul.u32 $0xC000, s3  }
0xe: {  	s24 =	sor.u32 s10, s11;
	s11 =	sor.u32 $0x70, s14;
	[smem:$0x7FF] =	sst s2  }
0xf: {  	s0 =	ssub.s32 s0, s5;
	s3 =	smul.u32 $0x300, s3;
	s4 =	sshrl.u32 s4, $0x3  }
0x10: {  	s24 =	sshll.u32 s24, $0x10;
	_ =	strace $0x80000047;
	s1 =	sadd.s32 s4, s1  }
0x11: {  	s4 =	sadd.s32 $0x400, s1;
	s30 =	sadd.s32 $0xC00, s1;
	s1 =	sadd.s32 $0x1400, s1  }
0x12: {  	s3 =	sadd.s32 s9, s3;
	[dreg:$0x5] =	wrdreg s1;
	s1 =	sand.u32 $0x3, s31  }
0x13: {  	[dreg:$0x6] =	wrdreg s3;
	s3 =	sor.u32 $0x8040, s14;
	s1 =	sor.u32 s10, s1  }
0x14: {  	[dreg:$0x3] =	wrdreg s4;
	s18 =	sshll.u32 s1, $0x10;
	s1 =	simm.s32 @!p4 $0x0  }
0x15: {  	v0 =	vimm.f32 $+Inf;
	v1 =	vlaneseq.u32;
	vm0 =	vcmask @p0 $0x3F08;
	[dreg:$0x4] =	wrdreg s30;
	s10 =	smax.u32 s0, $0x1;
	s1 =	simm.s32 @p4 $0x1  }
0x16: {  	vm1 =	vmmov @p0 $0x1;
	vm2 =	vcmask @!p4 $0x3F08;
	vm3 =	vmmov @!p4 $0x1;
	s0 =	sor.u32 $0x40, s14;
	s14 =	sor.u32 $0x4040, s14;
	[smem:$0x7FD] =	sst s1  }
.LBB2_1:
0x17: {  	[smem:$0x0] =	sst s2  }
0x18: {  	[smem:$0x80] =	sst s2  }
0x19: {  	[smem:$0x100] =	sst s2  }
0x1a: {  	[smem:$0x180] =	sst s2  }
0x1b: {  	[smem:$0x200] =	sst s2  }
0x1c: {  	[smem:$0x280] =	sst s2  }
0x1d: {  	[smem:$0x300] =	sst s2  }
0x1e: {  	[smem:$0x380] =	sst s2  }
0x1f: {  	[smem:$0x1] =	sst s2  }
0x20: {  	[smem:$0x81] =	sst s2  }
0x21: {  	[smem:$0x101] =	sst s2  }
0x22: {  	[smem:$0x181] =	sst s2  }
0x23: {  	[smem:$0x201] =	sst s2  }
0x24: {  	[smem:$0x281] =	sst s2  }
0x25: {  	[smem:$0x301] =	sst s2  }
0x26: {  	[smem:$0x381] =	sst s2  }
0x27: {  	[bflag:$0x0] =	sbarrier.arrive $0xFFFF  }
0x28: {  	s1 =	rddreg [dreg:$0x3]  }
0x29: {  	[tilespmem:s2], [sflag:$0x1] =	stream.linear.gather [hbm4b:s1+s2], $0x4000, $0x38;
	[tilespmem:$0xE800] =	vst v63  }
0x2a: {  	_ =	swait.ge [sflag:s15], $0x4000  }
0x2b: {  	[sflag:s15] =	ssyncset.done $0x0  }
0x2c: {  	s30 =	rddreg [dreg:$0x4];
	[sflag:s15] =	ssyncadd.s32 $0xFFFFC000  }
0x2d: {  	[tilespmem:s16], [sflag:$0x1] =	stream.linear.gather [hbm4b:s30+s2], $0x4000, $0x38;
	[tilespmem:$0xE800] =	vst v63  }
0x2e: {  	_ =	swait.ge [sflag:s15], $0x4000  }
0x2f: {  	[sflag:s15] =	ssyncset.done $0x0  }
0x30: {  	s31 =	rddreg [dreg:$0x5];
	[sflag:s15] =	ssyncadd.s32 $0xFFFFC000  }
0x31: {  	[tilespmem:s17], [sflag:$0x1] =	stream.linear.gather [hbm4b:s31+s2], $0x4000, $0x38;
	[tilespmem:$0xE800] =	vst v63  }
0x32: {  	_ =	swait.ge [sflag:s15], $0x4000  }
0x33: {  	[sflag:s15] =	ssyncset.done $0x0  }
0x34: {  	s1 =	simm.s32 $0xC040;
	[sflag:s15] =	ssyncadd.s32 $0xFFFFC000  }
0x35: {  	s12 =	sadd.s32 $0x8, s6;
	[tilespmem:s1+$0xFFFFFFC0] =	vst v0  }
0x36: {  	p5 =	slt.u32 s12, s7;
	[tilespmem:s1+$0x30] =	vst v0  }
.Ltmp0:
0x37: {  	[tilespmem:s1+$0x20] =	vst v0;
	(pc) =	sbr.rel @!p5 .LBB2_3-.Ltmp0, $4  }
0x38: {  	[tilespmem:s1+$0x10] =	vst v0  }
0x39: {  	[tilespmem:s1+$0x0] =	vst v0  }
0x3a: {  	[tilespmem:s1+$0xFFFFFFF0] =	vst v0  }
0x3b: {  	[tilespmem:s1+$0xFFFFFFE0] =	vst v0  }
.LBB2_2:
0x3c: {  	s12 =	sadd.s32 $0x8, s12;
	[tilespmem:s1+$0xFFFFFFD0] =	vst v0;
	s1 =	sadd.s32 $0x80, s1  }
0x3d: {  	[tilespmem:s1+$0xFFFFFFC0] =	vst v0;
	p5 =	slt.u32 s12, s7  }
0x3e: {  	[tilespmem:s1+$0x30] =	vst v0  }
.Ltmp1:
0x3f: {  	[tilespmem:s1+$0x20] =	vst v0;
	(pc) =	sbr.rel @p5 .LBB2_2-.Ltmp1, $4  }
0x40: {  	[tilespmem:s1+$0x10] =	vst v0  }
0x41: {  	[tilespmem:s1+$0x0] =	vst v0  }
0x42: {  	[tilespmem:s1+$0xFFFFFFF0] =	vst v0  }
0x43: {  	[tilespmem:s1+$0xFFFFFFE0] =	vst v0  }
.LBB2_3:
0x44: {  	[tilespmem:s1+$0xFFFFFFD0] =	vst v0;
	s28 =	simm.s32 $0x1;
	v2 =	vimm.s32 $0x0;
	v5 =	vimm.s32 $0x0  }
.LBB2_4:
0x45: {  	_ =	sdelay $0x3  }
0x46: {  	v3 =	vld.idx.msk [tilespmem:v5+s16+$0x0], $0xffff;
	v6 =	vlaneseq.u32 @p0  }
0x47: {  	v4 =	vld.idx.msk [tilespmem:v5+s17+$0x0], $0xffff;
	v6 =	vmul.u32 @p0 $0x800, v6  }
0x48: {  	v5 =	vld.idx.msk [tilespmem:v5+s2+$0x0], $0xffff;
	s1 =	sadd.s32 @p0 $0xFFFFFFFF, s28  }
0x49: {  	v6 =	vadd.s32 @p0 s1, v6;
	_ =	sdelay $0x2  }
0x4a: {  	v7 =	vsel @p0 vm0, v4, v3  }
0x4b: {  	s1 =	simm.s32 @p0 $0xD000;
	v7 =	vsel @p0 vm1, v5, v7  }
0x4c: {  	[tilespmem:v6+s1+$0x0] =	vst.idx.msk @p0 $0x7, v7  }
0x4d: {  	v6 =	vld [tilespmem:s14+$0x30]  }
0x4e: {  	v7 =	vld [tilespmem:s14+$0x20]  }
0x4f: {  	v8 =	vld [tilespmem:s0+$0x30]  }
0x50: {  	v9 =	vld [tilespmem:s3+$0x30]  }
0x51: {  	v10 =	vld [tilespmem:s14+$0x10]  }
0x52: {  	v11 =	vld [tilespmem:s0+$0x20]  }
0x53: {  	v12 =	vld [tilespmem:s3+$0x20]  }
0x54: {  	v13 =	vld [tilespmem:s14+$0x0]  }
0x55: {  	v14 =	vld [tilespmem:s0+$0x10]  }
0x56: {  	v15 =	vld [tilespmem:s3+$0x10]  }
0x57: {  	v16 =	vld [tilespmem:s14+$0xFFFFFFF0]  }
0x58: {  	v17 =	vld [tilespmem:s0+$0x0]  }
0x59: {  	v18 =	vld [tilespmem:s3+$0x0]  }
0x5a: {  	v21 =	vld [tilespmem:s14+$0xFFFFFFE0];
	v19 =	vsub.f32 v7, v3  }
0x5b: {  	v29 =	vld [tilespmem:s14+$0xFFFFFFC0];
	v20 =	vsub.f32 v6, v3;
	v23 =	vsub.f32 v8, v5  }
0x5c: {  	v22 =	vimm.f32 $-Inf;
	s13 =	sadd.s32 $0xFFFFFF90, s11;
	v32 =	vld [tilespmem:s0+$0xFFFFFFC0];
	v24 =	vsub.f32 v10, v3;
	v25 =	vsub.f32 v9, v4  }
0x5d: {  	s5 =	sadd.s32 $0xFFFFFFD0, s11;
	v35 =	vor.u32 s13, v1;
	v38 =	vld [tilespmem:s0+$0xFFFFFFD0];
	v26 =	vsub.f32 v11, v5;
	v27 =	vsub.f32 v12, v4  }
0x5e: {  	s4 =	sadd.s32 $0xFFFFFFC0, s11;
	v40 =	vld [tilespmem:s3+$0xFFFFFFD0];
	v6 =	vor.u32 s5, v1;
	v13 =	vsub.f32 v13, v3;
	v28 =	vsub.f32 v14, v5  }
0x5f: {  	v8 =	vld [tilespmem:s0+$0xFFFFFFF0];
	v7 =	vor.u32 s4, v1;
	v30 =	vsub.f32 v16, v3;
	v31 =	vsub.f32 v15, v4  }
0x60: {  	v10 =	vld [tilespmem:s14+$0xFFFFFFD0];
	v33 =	vsub.f32 v17, v5;
	v34 =	vsub.f32 v18, v4;
	v12 =	vmul.f32 v25, v25  }
0x61: {  	v18 =	vld [tilespmem:s3+$0xFFFFFFC0];
	v36 =	vsub.f32 v21, v3;
	v15 =	vmul.f32 v24, v24;
	v16 =	vmul.f32 v26, v26  }
0x62: {  	v11 =	vld [tilespmem:s0+$0xFFFFFFE0];
	v24 =	vsub.f32 v32, v5;
	v17 =	vmul.f32 v27, v27;
	v26 =	vsub.f32 v38, v5  }
0x63: {  	v42 =	vld [tilespmem:s3+$0xFFFFFFE0];
	v21 =	vmul.f32 v31, v31;
	v25 =	vmul.f32 v33, v33;
	v27 =	vsub.f32 v40, v4  }
0x64: {  	v29 =	vsub.f32 v29, v3;
	v24 =	vmul.f32 v24, v24;
	v26 =	vmul.f32 v26, v26  }
0x65: {  	v27 =	vmul.f32 v27, v27;
	v37 =	vsub.f32 v8, v5;
	v39 =	vsub.f32 v10, v3  }
0x66: {  	v10 =	vmul.f32 v19, v19;
	v19 =	vmul.f32 v13, v13;
	v13 =	vsub.f32 v18, v4;
	v18 =	vld [tilespmem:s3+$0xFFFFFFF0]  }
0x67: {  	v8 =	vmul.f32 v20, v20;
	v41 =	vsub.f32 v11, v5;
	v11 =	vmul.f32 v23, v23  }
0x68: {  	s29 =	simm.s32 $0xC040;
	s9 =	sadd.s32 $0xFFFFFFB0, s11;
	v23 =	vmul.f32 v30, v30;
	v30 =	vsub.f32 v42, v4;
	v13 =	vmul.f32 v13, v13  }
0x69: {  	v9 =	vor.u32 s9, v1;
	v20 =	vmul.f32 v28, v28;
	v28 =	vmul.f32 v29, v29;
	v29 =	vld [tilespmem:s29+$0xFFFFFFC0]  }
0x6a: {  	s31 =	sadd.s32 $0x8, s6;
	v59 =	vld [tilespmem:s29+$0xFFFFFFD0];
	v60 =	vmul.f32 v41, v41;
	v30 =	vmul.f32 v30, v30;
	v24 =	vadd.f32 v13, v24  }
0x6b: {  	p4 =	slt.u32 s31, s7;
	v31 =	vmul.f32 v36, v36;
	v27 =	vadd.f32 v27, v26;
	v26 =	vld [tilespmem:s29+$0xFFFFFFE0];
	v61 =	vsub.f32 v18, v4  }
.Ltmp2:
0x6c: {  	s12 =	sadd.s32 $0xFFFFFFA0, s11;
	v13 =	vld [tilespmem:s29+$0x30];
	v30 =	vadd.f32 v30, v60;
	v24 =	vadd.f32 v24, v28;
	v28 =	vmul.f32 v39, v39;
	(pc) =	sbr.rel @!p4 .LBB2_6-.Ltmp2, $4  }
0x6d: {  	v14 =	vor.u32 s12, v1;
	v62 =	vmul.f32 v37, v37;
	v18 =	vld [tilespmem:s29+$0x20];
	v33 =	vmul.f32 v61, v61  }
0x6e: {  	v30 =	vadd.f32 v30, v31;
	v63 =	vmin.f32 v29, v24;
	v28 =	vadd.f32 v27, v28;
	v24 =	vld [tilespmem:s29+$0x10]  }
0x6f: {  	s30 =	smov.u32 s11;
	v29 =	vmul.f32 v34, v34;
	v27 =	vld [tilespmem:s29+$0xFFFFFFF0];
	vm4 =	vgt.f32 v63, v22;
	v31 =	vadd.f32 v33, v62  }
0x70: {  	s13 =	smov.u32 s3;
	s1 =	sadd.s32 $0x80, s14;
	s12 =	smov.u32 s0;
	[tilespmem:s29+$0xFFFFFFC0] =	vst v63;
	v33 =	vsel vm4, v63, v22;
	v32 =	vsel vm4, v35, v2;
	v28 =	vmin.f32 v59, v28;
	v22 =	vld [tilespmem:s29+$0x0]  }
.LBB2_5:
0x71: {  	v34 =	vld [tilespmem:s1+$0x30];
	[tilespmem:s29+$0xFFFFFFD0] =	vst v28;
	vm4 =	vgt.f32 v28, v33;
	v23 =	vadd.f32 v31, v23;
	v25 =	vadd.f32 v29, v25  }
0x72: {  	s12 =	sadd.s32 $0x80, s12;
	v29 =	vld [tilespmem:s1+$0x20];
	v28 =	vsel vm4, v28, v33;
	v14 =	vsel vm4, v14, v32;
	v26 =	vmin.f32 v26, v30  }
0x73: {  	v20 =	vadd.f32 v21, v20;
	s13 =	sadd.s32 $0x80, s13;
	v30 =	vld [tilespmem:s12+$0x30];
	[tilespmem:s29+$0xFFFFFFE0] =	vst v26;
	vm4 =	vgt.f32 v26, v28;
	v19 =	vadd.f32 v25, v19  }
0x74: {  	v21 =	vld [tilespmem:s13+$0x30];
	v25 =	vsel vm4, v26, v28;
	v9 =	vsel vm4, v9, v14;
	v14 =	vmin.f32 v27, v23  }
0x75: {  	v16 =	vadd.f32 v17, v16;
	v15 =	vadd.f32 v20, v15;
	v23 =	vld [tilespmem:s1+$0x10];
	[tilespmem:s29+$0xFFFFFFF0] =	vst v14;
	vm4 =	vgt.f32 v14, v25  }
0x76: {  	v17 =	vld [tilespmem:s12+$0x20];
	v14 =	vsel vm4, v14, v25;
	v7 =	vsel vm4, v7, v9;
	v9 =	vmin.f32 v22, v19  }
0x77: {  	v11 =	vadd.f32 v12, v11;
	v10 =	vadd.f32 v16, v10;
	v19 =	vld [tilespmem:s13+$0x20];
	[tilespmem:s29+$0x0] =	vst v9;
	vm4 =	vgt.f32 v9, v14  }
0x78: {  	s4 =	sadd.s32 $0xFFFFFFE0, s30;
	v12 =	vld [tilespmem:s1+$0x0];
	v9 =	vsel vm4, v9, v14;
	v6 =	vsel vm4, v6, v7;
	v7 =	vmin.f32 v24, v15  }
0x79: {  	v8 =	vadd.f32 v11, v8;
	v15 =	vor.u32 s4, v1;
	v14 =	vld [tilespmem:s12+$0x10];
	[tilespmem:s29+$0x10] =	vst v7;
	vm4 =	vgt.f32 v7, v9  }
0x7a: {  	s4 =	sadd.s32 $0xFFFFFFF0, s30;
	v11 =	vld [tilespmem:s13+$0x10];
	v7 =	vsel vm4, v7, v9;
	v6 =	vsel vm4, v15, v6;
	v9 =	vmin.f32 v18, v10  }
0x7b: {  	v16 =	vor.u32 s30, v1;
	v15 =	vor.u32 s4, v1;
	v10 =	vld [tilespmem:s1+$0xFFFFFFF0];
	[tilespmem:s29+$0x20] =	vst v9;
	vm4 =	vgt.f32 v9, v7  }
0x7c: {  	v8 =	vmin.f32 v13, v8;
	v18 =	vld [tilespmem:s12+$0x0];
	v7 =	vsel vm4, v9, v7;
	v6 =	vsel vm4, v15, v6  }
0x7d: {  	v20 =	vsub.f32 v34, v3;
	v15 =	vsub.f32 v29, v3;
	v13 =	vld [tilespmem:s13+$0x0];
	[tilespmem:s29+$0x30] =	vst v8;
	vm4 =	vgt.f32 v8, v7  }
0x7e: {  	v24 =	vsub.f32 v30, v5;
	s30 =	sadd.s32 $0x80, s30;
	v22 =	vld [tilespmem:s1+$0xFFFFFFE0];
	v28 =	vsel vm4, v8, v7;
	v32 =	vsel vm4, v16, v6  }
0x7f: {  	v21 =	vsub.f32 v21, v4;
	s4 =	sadd.s32 $0xFFFFFFD0, s30;
	v16 =	vsub.f32 v23, v3;
	v8 =	vld [tilespmem:s12+$0xFFFFFFF0]  }
0x80: {  	s5 =	sadd.s32 $0xFFFFFFC0, s30;
	v17 =	vsub.f32 v17, v5;
	v25 =	vsub.f32 v19, v4;
	v6 =	vor.u32 s4, v1;
	v23 =	vld [tilespmem:s1+$0xFFFFFFD0]  }
0x81: {  	v26 =	vsub.f32 v12, v3;
	s4 =	sadd.s32 $0xFFFFFFB0, s30;
	v7 =	vor.u32 s5, v1;
	v27 =	vsub.f32 v14, v5;
	v19 =	vld [tilespmem:s12+$0xFFFFFFE0]  }
0x82: {  	s5 =	sadd.s32 $0xFFFFFFA0, s30;
	v9 =	vor.u32 s4, v1;
	v31 =	vsub.f32 v11, v4;
	v30 =	vsub.f32 v10, v3;
	v29 =	vld [tilespmem:s1+$0xFFFFFFC0]  }
0x83: {  	s4 =	sadd.s32 $0xFFFFFF90, s30;
	v14 =	vor.u32 s5, v1;
	v18 =	vsub.f32 v18, v5;
	v34 =	vsub.f32 v13, v4;
	v33 =	vld [tilespmem:s12+$0xFFFFFFC0]  }
0x84: {  	s31 =	sadd.s32 $0x8, s31;
	v35 =	vor.u32 s4, v1;
	v22 =	vsub.f32 v22, v3;
	v13 =	vld [tilespmem:s13+$0xFFFFFFC0];
	v36 =	vsub.f32 v8, v5  }
0x85: {  	p5 =	slt.u32 s31, s7;
	v10 =	vmul.f32 v15, v15;
	v8 =	vmul.f32 v20, v20;
	v37 =	vld [tilespmem:s12+$0xFFFFFFD0];
	v38 =	vsub.f32 v23, v3  }
0x86: {  	v12 =	vmul.f32 v21, v21;
	v11 =	vmul.f32 v24, v24;
	v39 =	vld [tilespmem:s13+$0xFFFFFFD0];
	v40 =	vsub.f32 v19, v5  }
0x87: {  	v15 =	vmul.f32 v16, v16;
	v16 =	vmul.f32 v17, v17;
	v24 =	vsub.f32 v29, v3;
	v29 =	vld [tilespmem:s13+$0xFFFFFFE0]  }
0x88: {  	v17 =	vmul.f32 v25, v25;
	v19 =	vmul.f32 v26, v26;
	v33 =	vsub.f32 v33, v5  }
0x89: {  	v21 =	vmul.f32 v31, v31;
	v20 =	vmul.f32 v27, v27;
	v13 =	vsub.f32 v13, v4;
	v26 =	vld [tilespmem:s13+$0xFFFFFFF0]  }
0x8a: {  	v25 =	vmul.f32 v18, v18;
	v23 =	vmul.f32 v30, v30;
	v27 =	vsub.f32 v37, v5  }
0x8b: {  	s29 =	sadd.s32 $0x80, s29;
	v18 =	vmul.f32 v33, v33;
	v13 =	vmul.f32 v13, v13;
	v30 =	vsub.f32 v39, v4  }
0x8c: {  	v22 =	vmul.f32 v22, v22;
	v24 =	vmul.f32 v24, v24;
	v31 =	vld [tilespmem:s29+$0xFFFFFFC0];
	v29 =	vsub.f32 v29, v4  }
0x8d: {  	v27 =	vmul.f32 v27, v27;
	v18 =	vadd.f32 v13, v18;
	v30 =	vmul.f32 v30, v30;
	v13 =	vld [tilespmem:s29+$0x30]  }
0x8e: {  	v33 =	vmul.f32 v40, v40;
	v37 =	vld [tilespmem:s29+$0xFFFFFFD0];
	v29 =	vmul.f32 v29, v29;
	v39 =	vsub.f32 v26, v4  }
.Ltmp3:
0x8f: {  	v24 =	vadd.f32 v18, v24;
	v27 =	vadd.f32 v30, v27;
	v30 =	vmul.f32 v38, v38;
	v18 =	vld [tilespmem:s29+$0x20];
	(pc) =	sbr.rel @p5 .LBB2_5-.Ltmp3, $4  }
0x90: {  	v36 =	vmul.f32 v36, v36;
	v33 =	vadd.f32 v29, v33;
	v26 =	vld [tilespmem:s29+$0xFFFFFFE0];
	v38 =	vmul.f32 v39, v39  }
0x91: {  	v29 =	vmul.f32 v34, v34;
	v39 =	vmin.f32 v31, v24;
	v40 =	vadd.f32 v27, v30;
	v24 =	vld [tilespmem:s29+$0x10]  }
0x92: {  	[tilespmem:s29+$0xFFFFFFC0] =	vst v39;
	vm4 =	vgt.f32 v39, v28;
	v30 =	vadd.f32 v33, v22;
	v31 =	vadd.f32 v38, v36;
	v27 =	vld [tilespmem:s29+$0xFFFFFFF0]  }
0x93: {  	s1 =	sadd.s32 $0x80, s1;
	v33 =	vsel vm4, v39, v28;
	v32 =	vsel vm4, v35, v32;
	v28 =	vmin.f32 v37, v40;
	v22 =	vld [tilespmem:s29+$0x0]  }
.LBB2_6:
0x94: {  	vm4 =	vgt.f32 v28, v33;
	v3 =	vadd.f32 v29, v25  }
0x95: {  	v4 =	vadd.f32 v31, v23;
	v5 =	vsel vm4, v28, v33;
	v57 =	vmin.f32 v26, v30  }
0x96: {  	v58 =	vadd.f32 v21, v20;
	v14 =	vsel vm4, v14, v32;
	vm4 =	vgt.f32 v57, v5  }
0x97: {  	v3 =	vadd.f32 v3, v19;
	v5 =	vsel vm4, v57, v5;
	v4 =	vmin.f32 v27, v4  }
0x98: {  	v59 =	vadd.f32 v17, v16;
	v9 =	vsel vm4, v9, v14;
	vm4 =	vgt.f32 v4, v5  }
0x99: {  	v15 =	vadd.f32 v58, v15;
	v3 =	vmin.f32 v22, v3;
	v5 =	vsel vm4, v4, v5  }
0x9a: {  	v60 =	vadd.f32 v59, v10;
	v7 =	vsel vm4, v7, v9;
	vm4 =	vgt.f32 v3, v5  }
0x9b: {  	v61 =	vadd.f32 v12, v11;
	v62 =	vmin.f32 v24, v15;
	v5 =	vsel vm4, v3, v5  }
0x9c: {  	s1 =	sadd.s32 $0xFFFFFFE0, s30;
	v63 =	vmin.f32 v18, v60;
	v6 =	vsel vm4, v6, v7;
	vm4 =	vgt.f32 v62, v5  }
0x9d: {  	[tilespmem:s29+$0xFFFFFFF0] =	vst v4;
	v4 =	vadd.f32 v61, v8;
	v7 =	vor.u32 s1, v1;
	v5 =	vsel vm4, v62, v5  }
0x9e: {  	s4 =	sadd.s32 $0xFFFFFFF0, s30;
	[tilespmem:s29+$0x0] =	vst v3;
	v3 =	vsel vm4, v7, v6;
	vm4 =	vgt.f32 v63, v5  }
0x9f: {  	v4 =	vmin.f32 v13, v4;
	v6 =	vor.u32 s4, v1;
	v5 =	vsel vm4, v63, v5  }
0xa0: {  	v6 =	vsel vm4, v6, v3;
	vm4 =	vgt.f32 v4, v5  }
0xa1: {  	v3 =	vsel vm4, v4, v5  }
0xa2: {  	v5 =	vxor.u32 $0x80000000, v3  }
0xa3: {  	(xrf0) =	vmax.scan.msk.u32 $0xffff, v5;
	_ =	sdelay $0x5  }
0xa4: {  	v5, _, _ =	vpop (xrf0)  }
0xa5: {  	(v2sf) =	vpush v5, $0xF;
	_ =	sdelay $0xe  }
0xa6: {  	s5 =	spop (v2sf)  }
0xa7: {  	v7 =	vor.u32 s30, v1;
	s5 =	sxor.u32 $0x80000000, s5  }
0xa8: {  	[tilespmem:s29+$0x30] =	vst v4;
	v4 =	vsel vm4, v7, v6;
	v5 =	vmov s5  }
0xa9: {  	vm4 =	veq.s32 v5, v3;
	v3 =	vxor.u32 $0x80000000, v4  }
0xaa: {  	v3 =	vnsel vm4, $0xFFFFFFFF, v3  }
0xab: {  	(xrf0) =	vmin.scan.msk.u32 $0xffff, v3;
	_ =	sdelay $0x5  }
0xac: {  	v3, _, _ =	vpop (xrf0)  }
0xad: {  	(v2sf) =	vpush v3, $0xF;
	_ =	sdelay $0x9  }
0xae: {  	[tilespmem:s29+$0xFFFFFFD0] =	vst v28  }
0xaf: {  	s9 =	sshll.u32 s28, $0x9;
	[tilespmem:s29+$0xFFFFFFE0] =	vst v57  }
0xb0: {  	[tilespmem:s29+$0x10] =	vst v62;
	s1 =	sand.u32 $0x200, s9  }
0xb1: {  	[tilespmem:s29+$0x20] =	vst v63;
	s29 =	sor.u32 s1, s8  }
0xb2: {  	[sflag:s15] =	ssyncset.done $0x0;
	s13 =	sor.u32 s18, s29  }
0xb3: {  	[smem:s13], [sflag:$0x1] =	smem.add.s32 s5;
	s12 =	spop (v2sf)  }
0xb4: {  	_ =	swait.done [sflag:s15]  }
0xb5: {  	[sflag:s15] =	ssyncset.s32 $0x0  }
0xb6: {  	s31 =	sadd.s32 $0x1, s29;
	[sflag:s15] =	ssyncset.done $0x0  }
0xb7: {  	s4 =	sor.u32 s18, s31;
	s9 =	sxor.u32 $0x80000000, s12;
	[sflag:s19] =	ssyncset.done $0x0  }
0xb8: {  	[smem:s4], [sflag:$0x2] =	smem.add.s32 s9  }
0xb9: {  	_ =	swait.done [sflag:s19]  }
0xba: {  	[sflag:s19] =	ssyncset.s32 $0x0  }
0xbb: {  	[sflag:s19] =	ssyncset.done $0x0  }
0xbc: {  	s12 =	sor.u32 s21, s29;
	[sflag:s20] =	ssyncset.done $0x0  }
0xbd: {  	[smem:s12], [sflag:$0x3] =	smem.add.s32 s5  }
0xbe: {  	_ =	swait.done [sflag:s20]  }
0xbf: {  	[sflag:s20] =	ssyncset.s32 $0x0  }
0xc0: {  	[sflag:s20] =	ssyncset.done $0x0  }
0xc1: {  	s13 =	sor.u32 s21, s31;
	[sflag:s22] =	ssyncset.done $0x0  }
0xc2: {  	[smem:s13], [sflag:$0x4] =	smem.add.s32 s9  }
0xc3: {  	_ =	swait.done [sflag:s22]  }
0xc4: {  	[sflag:s22] =	ssyncset.s32 $0x0  }
0xc5: {  	[sflag:s22] =	ssyncset.done $0x0  }
0xc6: {  	s29 =	sor.u32 s24, s29;
	[sflag:s23] =	ssyncset.done $0x0  }
0xc7: {  	[smem:s29], [sflag:$0x5] =	smem.add.s32 s5  }
0xc8: {  	_ =	swait.done [sflag:s23]  }
0xc9: {  	[sflag:s23] =	ssyncset.s32 $0x0  }
0xca: {  	[sflag:s23] =	ssyncset.done $0x0  }
0xcb: {  	s4 =	sor.u32 s24, s31;
	[sflag:s25] =	ssyncset.done $0x0  }
0xcc: {  	[smem:s4], [sflag:$0x6] =	smem.add.s32 s9  }
0xcd: {  	_ =	swait.done [sflag:s25]  }
0xce: {  	[sflag:s25] =	ssyncset.s32 $0x0  }
0xcf: {  	[sflag:s25] =	ssyncset.done $0x0  }
0xd0: {  	[bflag:$0x0] =	sbarrier.arrive $0xFFFF  }
0xd1: {  	s12 =	sor.u32 $0x1, s1;
	s29 =	sld [smem:s1+$0x0]  }
0xd2: {  	s30 =	sld [smem:s12+$0x0];
	_ =	sdelay $0x1  }
0xd3: {  	s13 =	sor.u32 $0x80, s1  }
0xd4: {  	s4 =	sor.u32 $0x81, s1;
	s29 =	smov.u32 @p0 s5;
	s30 =	smov.u32 @p0 s9  }
0xd5: {  	s31 =	sld [smem:s13+$0x0];
	p5 =	seq.s32 s29, s5;
	p6 =	slt.s32 s30, s9  }
0xd6: {  	s4 =	sld [smem:s4+$0x0];
	p5 =	por !p5, !p6  }
0xd7: {  	p4 =	sgt.s32 s29, s5;
	p5 =	por !p5, !p5  }
0xd8: {  	s12 =	smov.u32 s5;
	s13 =	smov.u32 s9;
	p5 =	por p4, p5  }
0xd9: {  	s31 =	smov.u32 @p3 s5;
	s4 =	smov.u32 @p3 s9;
	s12 =	smov.u32 @p5 s29  }
0xda: {  	s13 =	smov.u32 @p5 s30;
	s30 =	sor.u32 $0x100, s1;
	p6 =	seq.s32 s31, s12  }
0xdb: {  	p4 =	slt.s32 s4, s13;
	s29 =	sld [smem:s30+$0x0];
	s30 =	sor.u32 $0x101, s1  }
0xdc: {  	p5 =	por !p6, !p4;
	s30 =	sld [smem:s30+$0x0]  }
0xdd: {  	p4 =	sgt.s32 s31, s12;
	p5 =	por !p5, !p5  }
0xde: {  	p5 =	por p4, p5;
	s29 =	smov.u32 @p2 s5  }
0xdf: {  	s12 =	smov.u32 @p5 s31;
	s13 =	smov.u32 @p5 s4;
	s30 =	smov.u32 @p2 s9  }
0xe0: {  	p6 =	seq.s32 s29, s12;
	p4 =	slt.s32 s30, s13  }
0xe1: {  	p5 =	por !p6, !p4  }
0xe2: {  	s31 =	sor.u32 $0x180, s1;
	p4 =	sgt.s32 s29, s12;
	p5 =	por !p5, !p5  }
0xe3: {  	s4 =	sld [smem:s31+$0x0];
	s31 =	sor.u32 $0x181, s1;
	p5 =	por p4, p5  }
0xe4: {  	s12 =	smov.u32 @p5 s29;
	s29 =	sld [smem:s31+$0x0];
	_ =	sdelay $0x1  }
0xe5: {  	s28 =	sadd.s32 $0x1, s28  }
0xe6: {  	s4 =	smov.u32 @p1 s5;
	s13 =	smov.u32 @p5 s30;
	s29 =	smov.u32 @p1 s9  }
0xe7: {  	[smem:s1] =	sst s2;
	s5 =	smov.u32 s13;
	p6 =	slt.s32 s29, s13  }
0xe8: {  	[smem:s1+$0x1] =	sst s2;
	p4 =	seq.s32 s4, s12;
	s5 =	smov.u32 @p6 s29  }
0xe9: {  	[smem:s1+$0x80] =	sst s2;
	s13 =	smov.u32 @p4 s5;
	p4 =	seq.s32 s28, $0x800  }
.Ltmp4:
0xea: {  	[smem:s1+$0x81] =	sst s2;
	(pc) =	sbr.rel @!p4 .LBB2_4-.Ltmp4, $4  }
0xeb: {  	[smem:s1+$0x100] =	sst s2  }
0xec: {  	p5 =	sgt.s32 s4, s12;
	[smem:s1+$0x101] =	sst s2  }
0xed: {  	[smem:s1+$0x180] =	sst s2;
	s13 =	smov.u32 @p5 s29  }
0xee: {  	[smem:s1+$0x181] =	sst s2;
	v5 =	vmov s13  }
0xef: {  	s1 =	sld [smem:$0x7FD];
	_ =	sdelay $0x2  }
0xf0: {  	p5 =	seq.s32 s1, $0x1  }
0xf1: {  	v2 =	vld.idx.msk [tilespmem:v5+s16+$0x0], $0xffff;
	v3 =	vlaneseq.u32 @!p5  }
0xf2: {  	v4 =	vld.idx.msk [tilespmem:v5+s17+$0x0], $0xffff;
	v3 =	vmul.u32 @!p5 $0x800, v3  }
0xf3: {  	v5 =	vld.idx.msk [tilespmem:v5+s2+$0x0], $0xffff  }
0xf4: {  	v3 =	vor.u32 @!p5 $0x7FF, v3;
	_ =	sdelay $0x2  }
0xf5: {  	v2 =	vsel @!p5 vm2, v4, v2  }
0xf6: {  	s26 =	sadd.s32 $0x1, s26;
	s1 =	simm.s32 @!p5 $0xD000;
	v2 =	vsel @!p5 vm3, v5, v2  }
0xf7: {  	s5 =	rddreg [dreg:$0x6];
	p4 =	sne.s32 s26, s10;
	s4 =	simm.s32 @!p5 $0x0;
	[tilespmem:v3+s1+$0x0] =	vst.idx.msk @!p5 $0x7, v2  }
0xf8: {  	[hbm4b:s5+s4] =	stream.linear.scatter @!p5 [tilespmem:s1], [sflag:$0x1], $0x1800, $0x38;
	[tilespmem:$0xE800] =	vst v63  }
.Ltmp5:
0xf9: {  	_ = 	snop;
	(pc) =	sbr.rel @p4 .LBB2_1-.Ltmp5, $4  }
0xfa: {  	s1 =	simm.s32 @!p5 $0x1  }
0xfb: {  	_ =	swait.ge @!p5 [sflag:s1], $0x1800  }
0xfc: {  	[sflag:s1] =	ssyncset.done @!p5 $0x0  }
0xfd: {  	[sflag:s1] =	ssyncadd.s32 @!p5 $0xFFFFE800  }
0xfe: {  	_ =	sfence.sel $0x180000  }
0xff: {  	[bflag:$0x0] =	sbarrier.arrive $0xFFFF  }
0x100: {  	_ =	strace $0x90000047  }
0x101: {  	s0 =	stileid.u32;
	[bflag:$0x2] =	sbarrier.arrive $0xFFFF  }
0x102: {  	p0 =	sne.s32 s0, $0x0;
	s0 =	rddreg [dreg:$0x2]  }
0x103: {  	s0 =	sadd.s32 @!p0 $0x100000, s0  }
0x104: {  	[sflag:s0] =	ssyncadd.tile.s32 @!p0 $0x1;
	_ =	shalt  }
.Lfunc_end2:
_tile_overlayer_lowered:
.L_overlay_start_2:
0x105: {  	(tag) =	ssettag $0x2  }
0x106: {  	s0 =	rddreg [dreg:$0x0];
	s2 =	stileid.u32  }
0x107: {  	s1 =	rddreg [dreg:$0x1];
	p0 =	sne.s32 s2, $0x0  }
0x108: {  	s3 =	rddreg [dreg:$0x2];
	[bflag:$0x3] =	sbarrier.arrive $0xFFFF;
	s2 =	simm.s32 @!p0 $0x1C01  }
0x109: {  	[timem:s3], [sflag:s2] =	dma.local @!p0 [hbm:s0], s1  }
0x10a: {  	s0 =	simm.s32 @!p0 $0x1  }
0x10b: {  	_ =	swait.ge @!p0 [sflag:s0], s1  }
0x10c: {  	s1 =	ssub.s32 @!p0 $0x0, s1;
	[sflag:s0] =	ssyncset.done @!p0 $0x0  }
0x10d: {  	[sflag:s0] =	ssyncadd.s32 @!p0 s1  }
0x10e: {  	[bflag:$0x3] =	sbarrier.arrive $0xFFFF  }
0x10f: {  	_ =	shalt  }

</sc_bundles>
